<compile_context>
chip_gen: v7x
topology: tpu7x:2x2x1
jax: 0.10.2.dev20260603
libtpu: 0.0.44.dev20260713+nightly
codegen_flags: <defaults>
</compile_context>

<pallas_src>
import functools

import jax
import jax.numpy as jnp
from jax import lax
from jax.experimental import pallas as pl
from jax.experimental.pallas import tpu as pltpu
from jax.experimental.pallas import tpu_sc as plsc

H = 128
N_NODES = 10000
N_EDGES = 320000

NC, NS = 2, 16
NW = NC * NS
CH = 128
N_CHUNKS = 79
PER_W = CH * N_CHUNKS
E_PAD = PER_W * NW
N_PAD = 10112
ROWS_PER_TILE = N_PAD // NS
N_DUMMY = N_NODES + 7

f32 = jnp.float32
bf16 = jnp.bfloat16


def _mesh():
    return plsc.VectorSubcoreMesh(
        core_axis_name="c", subcore_axis_name="s",
        num_cores=NC, num_subcores=NS)


@functools.cache
def _sc_gather_kernel():
    @functools.partial(
        pl.kernel,
        out_type=[jax.ShapeDtypeStruct((E_PAD, H), f32),
                  jax.ShapeDtypeStruct((E_PAD, H), f32)],
        mesh=_mesh(),
        scratch_types=[
            pltpu.VMEM((CH,), jnp.int32),
            pltpu.VMEM((CH,), jnp.int32),
            pltpu.VMEM((CH, H), f32),
            pltpu.VMEM((CH, H), f32),
            pltpu.SemaphoreType.DMA,
            pltpu.SemaphoreType.DMA,
        ],
    )
    def _sc_gather(x_hbm, src_hbm, dst_hbm, out_s_hbm, out_d_hbm,
                   idx_s, idx_d, rows_s, rows_d, sem_s, sem_d):
        wid = lax.axis_index("s") * NC + lax.axis_index("c")
        base = wid * PER_W

        def body(j, carry):
            off = base + j * CH
            pltpu.sync_copy(src_hbm.at[pl.ds(off, CH)], idx_s)
            pltpu.sync_copy(dst_hbm.at[pl.ds(off, CH)], idx_d)
            a = pltpu.async_copy(x_hbm.at[idx_s], rows_s, sem_s)
            b = pltpu.async_copy(x_hbm.at[idx_d], rows_d, sem_d)
            a.wait()
            b.wait()
            pltpu.sync_copy(rows_s, out_s_hbm.at[pl.ds(off, CH)])
            pltpu.sync_copy(rows_d, out_d_hbm.at[pl.ds(off, CH)])
            return carry

        lax.fori_loop(0, N_CHUNKS, body, 0)

    return _sc_gather


NB = 2


@functools.cache
def _sc_scatter_kernel():
    @functools.partial(
        pl.kernel,
        out_type=jax.ShapeDtypeStruct((NC, N_PAD, H), f32),
        mesh=_mesh(),
        scratch_types=(
            [pltpu.VMEM((N_CHUNKS, CH), jnp.int32),
             pltpu.VMEM_SHARED((N_PAD, H), f32)]
            + [pltpu.VMEM((CH, H), f32)] * NB
            + [pltpu.SemaphoreType.DMA] * (2 * NB + 1)
        ),
    )
    def _sc_scatter(rows_hbm, dst_hbm, zeros_hbm, out_hbm,
                    idx_v, agg_sh, *bufs_and_sems):
        rows = bufs_and_sems[0:NB]
        sem_l = bufs_and_sems[NB:2 * NB]
        sem_s = bufs_and_sems[2 * NB:3 * NB]
        sem_i = bufs_and_sems[3 * NB]
        cid = lax.axis_index("c")
        sid = lax.axis_index("s")
        wid = sid * NC + cid
        base = wid * PER_W
        tile_rows = pl.ds(sid * ROWS_PER_TILE, ROWS_PER_TILE)

        ia = pltpu.async_copy(dst_hbm.at[wid], idx_v, sem_i)
        pltpu.sync_copy(zeros_hbm.at[tile_rows], agg_sh.at[tile_rows])
        ia.wait()
        plsc.subcore_barrier()

        def load_chunk(j, b):
            off = base + j * CH
            pltpu.async_copy(rows_hbm.at[pl.ds(off, CH)], rows[b], sem_l[b])

        def wait_load(b):
            pltpu.make_async_copy(rows_hbm.at[pl.ds(0, CH)], rows[b],
                                  sem_l[b]).wait()

        def scatter_chunk(j, b):
            pltpu.async_copy(rows[b], agg_sh.at[idx_v.at[j]], sem_s[b],
                             add=True)

        def wait_scatter(b):
            pltpu.make_async_copy(rows[b], agg_sh.at[idx_v.at[0]],
                                  sem_s[b]).wait()

        def body(g, carry):
            for b in range(NB):
                @pl.when(g > 0)
                def _():
                    wait_scatter(b)
                load_chunk(g * NB + b, b)
            for b in range(NB):
                wait_load(b)
                scatter_chunk(g * NB + b, b)
            return carry

        lax.fori_loop(0, (N_CHUNKS - 1) // NB, body, 0, unroll=False)
        for b in range(NB):
            wait_scatter(b)
        load_chunk(N_CHUNKS - 1, 0)
        wait_load(0)
        scatter_chunk(N_CHUNKS - 1, 0)
        wait_scatter(0)
        plsc.subcore_barrier()
        pltpu.sync_copy(agg_sh.at[tile_rows], out_hbm.at[cid].at[tile_rows])

    return _sc_scatter


def _ln(v, g, beta):
    m = jnp.mean(v, axis=-1, keepdims=True)
    d = v - m
    var = jnp.mean(d * d, axis=-1, keepdims=True)
    return d * lax.rsqrt(var + 1e-5) * g + beta


def _mm(a, w):
    return jnp.dot(a.astype(bf16), w, preferred_element_type=f32)


def _edge_body(ea_ref, xs_ref, xd_ref,
               w0a, w0b, w0c, w1, w2, w3,
               b0, b1, b2, b3, g0, g1, g2, be0, be1, be2,
               new_ref, out_ref):
    ea = ea_ref[...]
    h = (_mm(ea, w0a[...]) + _mm(xs_ref[...], w0b[...])
         + _mm(xd_ref[...], w0c[...]) + b0[...])
    h = _ln(jnp.maximum(h, 0.0), g0[...], be0[...])
    h = _ln(jnp.maximum(_mm(h, w1[...]) + b1[...], 0.0), g1[...], be1[...])
    h = _ln(jnp.maximum(_mm(h, w2[...]) + b2[...], 0.0), g2[...], be2[...])
    new = _mm(h, w3[...]) + b3[...]
    new_ref[...] = new
    out_ref[...] = ea + new


BE = 1600


def _edge_mlp(edge_attr, xs, xd, ws, vecs):
    wspec = pl.BlockSpec((H, H), lambda i: (0, 0))
    vspec = pl.BlockSpec((1, H), lambda i: (0, 0))
    espec = pl.BlockSpec((BE, H), lambda i: (i, 0))
    return pl.pallas_call(
        _edge_body,
        grid=(N_EDGES // BE,),
        in_specs=[espec, espec, espec] + [wspec] * 6 + [vspec] * 10,
        out_specs=[espec, espec],
        out_shape=[jax.ShapeDtypeStruct((E_PAD, H), f32),
                   jax.ShapeDtypeStruct((N_EDGES, H), f32)],
    )(edge_attr, xs, xd, *ws, *vecs)


def _node_body(x_ref, a0_ref, a1_ref,
               w0a, w0b, w1, w2, w3,
               b0, b1, b2, b3, g0, g1, g2, be0, be1, be2,
               out_ref):
    x = x_ref[...]
    agg = a0_ref[0] + a1_ref[0]
    h = _mm(x, w0a[...]) + _mm(agg, w0b[...]) + b0[...]
    h = _ln(jnp.maximum(h, 0.0), g0[...], be0[...])
    h = _ln(jnp.maximum(_mm(h, w1[...]) + b1[...], 0.0), g1[...], be1[...])
    h = _ln(jnp.maximum(_mm(h, w2[...]) + b2[...], 0.0), g2[...], be2[...])
    out_ref[...] = x + _mm(h, w3[...]) + b3[...]


BN = 1000


def _node_mlp(x, agg2, ws, vecs):
    wspec = pl.BlockSpec((H, H), lambda i: (0, 0))
    vspec = pl.BlockSpec((1, H), lambda i: (0, 0))
    nspec = pl.BlockSpec((BN, H), lambda i: (i, 0))
    a0spec = pl.BlockSpec((1, BN, H), lambda i: (0, i, 0))
    a1spec = pl.BlockSpec((1, BN, H), lambda i: (1, i, 0))
    return pl.pallas_call(
        _node_body,
        grid=(N_NODES // BN,),
        in_specs=[nspec, a0spec, a1spec] + [wspec] * 5 + [vspec] * 10,
        out_specs=nspec,
        out_shape=jax.ShapeDtypeStruct((N_NODES, H), f32),
    )(x, agg2, agg2, *ws, *vecs)


def kernel(x, edge_attr, edge_index, pos, edge_params, node_params):
    del pos
    src = edge_index[0].astype(jnp.int32)
    dst = edge_index[1].astype(jnp.int32)
    src_p = jnp.pad(src, (0, E_PAD - N_EDGES))
    dst_p = jnp.pad(dst, (0, E_PAD - N_EDGES), constant_values=N_DUMMY)

    xs, xd = _sc_gather_kernel()(x, src_p, dst_p)

    ep = edge_params
    w0 = ep["W0"]
    e_ws = [w.astype(bf16) for w in
            (w0[:H], w0[H:2 * H], w0[2 * H:], ep["W1"], ep["W2"], ep["W3"])]
    e_vecs = [v.reshape(1, H) for v in
              (ep["b0"], ep["b1"], ep["b2"], ep["b3"],
               ep["g0"], ep["g1"], ep["g2"],
               ep["beta0"], ep["beta1"], ep["beta2"])]
    edge_new_p, edge_out = _edge_mlp(edge_attr, xs, xd, e_ws, e_vecs)

    zeros = jnp.zeros((N_PAD, H), f32)
    dst_w = dst_p.reshape(NW, N_CHUNKS, CH)
    agg2 = _sc_scatter_kernel()(edge_new_p, dst_w, zeros)

    np_ = node_params
    nw0 = np_["W0"]
    n_ws = [w.astype(bf16) for w in
            (nw0[:H], nw0[H:], np_["W1"], np_["W2"], np_["W3"])]
    n_vecs = [v.reshape(1, H) for v in
              (np_["b0"], np_["b1"], np_["b2"], np_["b3"],
               np_["g0"], np_["g1"], np_["g2"],
               np_["beta0"], np_["beta1"], np_["beta2"])]
    x_out = _node_mlp(x, agg2, n_ws, n_vecs)
    return (x_out, edge_out)

# --- scband reference (transcript-rebuilt; emitter-appended) ---
"""Pipeline reference for scband-graph-net-block-17008070492485 (READ-ONLY COPY).

The authoritative reference and input builder live on the scoring server;
editing this copy changes nothing except your own understanding.
"""

import jax, jax.numpy as jnp
import numpy as np

HIDDEN = 128
N_NODES = 10000
N_EDGES = 320000


def _init_mlp(key, in_size, hidden, out_size):
    ks = jax.random.split(key, 4)
    dims = [(in_size, hidden), (hidden, hidden), (hidden, hidden), (hidden, out_size)]
    p = {}
    for i, (a, b) in enumerate(dims):
        p[f"W{i}"] = jax.random.normal(ks[i], (a, b), dtype=jnp.float32) * (1.0 / np.sqrt(a))
        p[f"b{i}"] = jnp.zeros((b,), dtype=jnp.float32)
    for i in range(3):
        p[f"g{i}"] = jnp.ones((hidden,), dtype=jnp.float32)
        p[f"beta{i}"] = jnp.zeros((hidden,), dtype=jnp.float32)
    return p


def _mlp(v, p):
    # build_mlp with nb_of_layers=4, lay_norm=True:
    # [Linear, ReLU, LN] x 3 then final Linear
    for i in range(3):
        v = v @ p[f"W{i}"] + p[f"b{i}"]
        v = jax.nn.relu(v)
        m = jnp.mean(v, axis=-1, keepdims=True)
        var = jnp.var(v, axis=-1, keepdims=True)
        v = (v - m) / jnp.sqrt(var + 1e-5) * p[f"g{i}"] + p[f"beta{i}"]
    return v @ p["W3"] + p["b3"]


def setup_inputs(seed: int = 0) -> dict:
    key = jax.random.key(seed)
    k_x, k_e, k_idx, k_pos, k_pe, k_pn = jax.random.split(key, 6)
    x = jax.random.normal(k_x, (N_NODES, HIDDEN), dtype=jnp.float32)
    edge_attr = jax.random.normal(k_e, (N_EDGES, HIDDEN), dtype=jnp.float32)
    edge_index = jax.random.randint(k_idx, (2, N_EDGES), 0, N_NODES, dtype=jnp.int64 if jax.config.jax_enable_x64 else jnp.int32)
    pos = jax.random.normal(k_pos, (N_NODES, 3), dtype=jnp.float32)
    edge_params = _init_mlp(k_pe, 3 * HIDDEN, HIDDEN, HIDDEN)
    node_params = _init_mlp(k_pn, 2 * HIDDEN, HIDDEN, HIDDEN)
    return {"x": x, "edge_attr": edge_attr, "edge_index": edge_index, "pos": pos, "edge_params": edge_params, "node_params": node_params}


def reference(x, edge_attr, edge_index, pos, edge_params, node_params):
    src = edge_index[0]
    dst = edge_index[1]
    # EdgeBlock: concat(edge_attr, x[src], x[dst]) -> MLP
    edge_inputs = jnp.concatenate([edge_attr, x[src], x[dst]], axis=1)
    edge_attr_new = _mlp(edge_inputs, edge_params)
    # NodeBlock: scatter_add over receivers -> concat(x, agg) -> MLP
    agg = jax.ops.segment_sum(edge_attr_new, dst, num_segments=x.shape[0])
    node_inputs = jnp.concatenate([x, agg], axis=-1)
    x_new = _mlp(node_inputs, node_params)
    # residual connections
    x_out = x + x_new
    edge_attr_out = edge_attr + edge_attr_new
    return (x_out, edge_attr_out)

if __name__ == "__main__":
    import jax
    _d = setup_inputs()
    print(jax.jit(kernel)(*tuple(_d.values())))

</pallas_src>

<mosaic_0001>
#map = affine_map<(d0, d1) -> (0, 0)>
#map1 = affine_map<(d0, d1) -> (0, 0, 0)>
module attributes {stable_mosaic.version = 14 : i64} {
  func.func @_sc_scatter(%arg0: i32, %arg1: i32, %arg2: memref<323584x128xf32, #tpu.memory_space<hbm>>, %arg3: memref<32x79x128xi32, #tpu.memory_space<hbm>>, %arg4: memref<10112x128xf32, #tpu.memory_space<hbm>>, %arg5: memref<2x10112x128xf32, #tpu.memory_space<hbm>>, %arg6: memref<79x128xi32, #tpu.memory_space<vmem>>, %arg7: memref<10112x128xf32, #tpu.memory_space<vmem_shared>>, %arg8: memref<128x128xf32, #tpu.memory_space<vmem>>, %arg9: memref<128x128xf32, #tpu.memory_space<vmem>>, %arg10: memref<!tpu.dma_semaphore, #tpu.memory_space<semaphore_mem>>, %arg11: memref<!tpu.dma_semaphore, #tpu.memory_space<semaphore_mem>>, %arg12: memref<!tpu.dma_semaphore, #tpu.memory_space<semaphore_mem>>, %arg13: memref<!tpu.dma_semaphore, #tpu.memory_space<semaphore_mem>>, %arg14: memref<!tpu.dma_semaphore, #tpu.memory_space<semaphore_mem>>) attributes {dimension_semantics = [#tpu.dimension_semantics<core_parallel>, #tpu.dimension_semantics<subcore_parallel>], iteration_bounds = array<i64: 2, 16>, scalar_prefetch = 0 : i64, scratch_operands = 9 : i64, tpu.core_type = #tpu.core_type<sc_vector_subcore>, window_params = [{transform_indices = #map}, {transform_indices = #map1}, {transform_indices = #map}, {transform_indices = #map1}]} {
    %mul3A = arith.constant 2 : i32
    %mul3A_0 = arith.muli %arg1, %mul3A : i32
    %add3A = arith.addi %mul3A_0, %arg0 : i32
    %mul3A_1 = arith.constant 10112 : i32
    %mul3A_2 = arith.muli %add3A, %mul3A_1 : i32
    %mul3A_3 = arith.constant 632 : i32
    %mul3A_4 = arith.muli %arg1, %mul3A_3 : i32
    %dma_start3A = arith.constant 0 : i32
    %dma_start3A_5 = arith.constant 0 : i32
    %dma_start3A_6 = tpu.memref_slice %arg3[%add3A, %dma_start3A, %dma_start3A_5] : memref<32x79x128xi32, #tpu.memory_space<hbm>> -> memref<1x79x128xi32, #tpu.memory_space<hbm>>
    %dma_start3A_7 = tpu.memref_squeeze %dma_start3A_6 : memref<1x79x128xi32, #tpu.memory_space<hbm>> -> memref<79x128xi32, #tpu.memory_space<hbm>>
    %dma_start3A_8 = arith.constant 0 : i32
    %dma_start3A_9 = arith.constant 0 : i32
    %dma_start3A_10 = tpu.memref_slice %arg3[%add3A, %dma_start3A_8, %dma_start3A_9] : memref<32x79x128xi32, #tpu.memory_space<hbm>> -> memref<1x79x128xi32, #tpu.memory_space<hbm>>
    %dma_start3A_11 = tpu.memref_squeeze %dma_start3A_10 : memref<1x79x128xi32, #tpu.memory_space<hbm>> -> memref<79x128xi32, #tpu.memory_space<hbm>>
    tpu.enqueue_dma source(%dma_start3A_11 : memref<79x128xi32, #tpu.memory_space<hbm>>) target(%arg6 : memref<79x128xi32, #tpu.memory_space<vmem>>) target_semaphore(%arg14 : memref<!tpu.dma_semaphore, #tpu.memory_space<semaphore_mem>>)
    "tpu.region"() ({
      %run_scoped3A = tpu.sem_alloc : memref<!tpu.dma_semaphore, #tpu.memory_space<semaphore_mem>>
      %dma_start3A_65 = arith.constant 0 : i32
      %dma_start3A_66 = tpu.memref_slice %arg7[%mul3A_4, %dma_start3A_65] : memref<10112x128xf32, #tpu.memory_space<vmem_shared>> -> memref<632x128xf32, #tpu.memory_space<vmem_shared>>
      %dma_start3A_67 = arith.constant 0 : i32
      %dma_start3A_68 = tpu.memref_slice %arg4[%mul3A_4, %dma_start3A_67] : memref<10112x128xf32, #tpu.memory_space<hbm>> -> memref<632x128xf32, #tpu.memory_space<hbm>>
      tpu.enqueue_dma source(%dma_start3A_68 : memref<632x128xf32, #tpu.memory_space<hbm>>) target(%dma_start3A_66 : memref<632x128xf32, #tpu.memory_space<vmem_shared>>) target_semaphore(%run_scoped3A : memref<!tpu.dma_semaphore, #tpu.memory_space<semaphore_mem>>)
      %dma_wait3A_69 = arith.constant 0 : i32
      %dma_wait3A_70 = tpu.memref_slice %arg7[%mul3A_4, %dma_wait3A_69] : memref<10112x128xf32, #tpu.memory_space<vmem_shared>> -> memref<632x128xf32, #tpu.memory_space<vmem_shared>>
      %dma_wait3A_71 = arith.constant 0 : i32
      %dma_wait3A_72 = tpu.memref_slice %arg4[%mul3A_4, %dma_wait3A_71] : memref<10112x128xf32, #tpu.memory_space<hbm>> -> memref<632x128xf32, #tpu.memory_space<hbm>>
      tpu.wait_dma2 semaphore(%run_scoped3A : memref<!tpu.dma_semaphore, #tpu.memory_space<semaphore_mem>>) src(%dma_wait3A_72 : memref<632x128xf32, #tpu.memory_space<hbm>>) dst(%dma_wait3A_70 : memref<632x128xf32, #tpu.memory_space<vmem_shared>>)
      tpu.yield
    }) : () -> ()
    %dma_wait3A = arith.constant 0 : i32
    %dma_wait3A_12 = arith.constant 0 : i32
    %dma_wait3A_13 = tpu.memref_slice %arg3[%add3A, %dma_wait3A, %dma_wait3A_12] : memref<32x79x128xi32, #tpu.memory_space<hbm>> -> memref<1x79x128xi32, #tpu.memory_space<hbm>>
    %dma_wait3A_14 = tpu.memref_squeeze %dma_wait3A_13 : memref<1x79x128xi32, #tpu.memory_space<hbm>> -> memref<79x128xi32, #tpu.memory_space<hbm>>
    %dma_wait3A_15 = arith.constant 0 : i32
    %dma_wait3A_16 = arith.constant 0 : i32
    %dma_wait3A_17 = tpu.memref_slice %arg3[%add3A, %dma_wait3A_15, %dma_wait3A_16] : memref<32x79x128xi32, #tpu.memory_space<hbm>> -> memref<1x79x128xi32, #tpu.memory_space<hbm>>
    %dma_wait3A_18 = tpu.memref_squeeze %dma_wait3A_17 : memref<1x79x128xi32, #tpu.memory_space<hbm>> -> memref<79x128xi32, #tpu.memory_space<hbm>>
    tpu.wait_dma2 semaphore(%arg14 : memref<!tpu.dma_semaphore, #tpu.memory_space<semaphore_mem>>) src(%dma_wait3A_18 : memref<79x128xi32, #tpu.memory_space<hbm>>) dst(%arg6 : memref<79x128xi32, #tpu.memory_space<vmem>>)
    %barrier3A = arith.constant 0 : index
    tpu.barrier barrier_id(%barrier3A)
    %scan3A = arith.constant 0 : i32
    %scan3A_19 = arith.constant 0 : i32
    %scan3A_20 = arith.constant 39 : i32
    %scan3A_21 = arith.addi %scan3A_19, %scan3A_20 : i32
    %scan3A_22 = arith.constant 1 : i32
    scf.for %scan3A_65 = %scan3A_19 to %scan3A_21 step %scan3A_22  : i32 {
      %gt3A = arith.constant 0 : i32
      %gt3A_66 = arith.cmpi sgt, %scan3A_65, %gt3A : i32
      %convert_element_type3A = arith.extui %gt3A_66 : i1 to i32
      %cond3A = arith.constant 0 : i32
      %cond3A_67 = arith.cmpi ne, %convert_element_type3A, %cond3A : i32
      scf.if %cond3A_67 {
        %dma_wait3A_127 = arith.constant 0 : i32
        %dma_wait3A_128 = arith.constant 0 : i32
        %dma_wait3A_129 = tpu.memref_slice %arg6[%dma_wait3A_127, %dma_wait3A_128] : memref<79x128xi32, #tpu.memory_space<vmem>> -> memref<1x128xi32, #tpu.memory_space<vmem>>
        %dma_wait3A_130 = tpu.memref_squeeze %dma_wait3A_129 : memref<1x128xi32, #tpu.memory_space<vmem>> -> memref<128xi32, #tpu.memory_space<vmem>>
        %dma_wait3A_131 = arith.constant 0 : i32
        %dma_wait3A_132 = arith.constant 0 : i32
        %dma_wait3A_133 = tpu.memref_slice %arg7[%dma_wait3A_131, %dma_wait3A_132] : memref<10112x128xf32, #tpu.memory_space<vmem_shared>> -> memref<10112x128xf32, #tpu.memory_space<vmem_shared>>
        tpu.wait_indirect_dma semaphore(%arg12 : memref<!tpu.dma_semaphore, #tpu.memory_space<semaphore_mem>>) src(%arg8 : memref<128x128xf32, #tpu.memory_space<vmem>>) dst(%dma_wait3A_133 : memref<10112x128xf32, #tpu.memory_space<vmem_shared>>)
      } else {
      }
      %mul3A_68 = arith.constant 2 : i32
      %mul3A_69 = arith.muli %scan3A_65, %mul3A_68 : i32
      %add3A_70 = arith.constant 0 : i32
      %add3A_71 = arith.addi %mul3A_69, %add3A_70 : i32
      %mul3A_72 = arith.constant 128 : i32
      %mul3A_73 = arith.muli %add3A_71, %mul3A_72 : i32
      %add3A_74 = arith.addi %mul3A_2, %mul3A_73 : i32
      %dma_start3A_75 = arith.constant 0 : i32
      %dma_start3A_76 = tpu.memref_slice %arg2[%add3A_74, %dma_start3A_75] : memref<323584x128xf32, #tpu.memory_space<hbm>> -> memref<128x128xf32, #tpu.memory_space<hbm>>
      %dma_start3A_77 = arith.constant 0 : i32
      %dma_start3A_78 = tpu.memref_slice %arg2[%add3A_74, %dma_start3A_77] : memref<323584x128xf32, #tpu.memory_space<hbm>> -> memref<128x128xf32, #tpu.memory_space<hbm>>
      tpu.enqueue_dma source(%dma_start3A_78 : memref<128x128xf32, #tpu.memory_space<hbm>>) target(%arg8 : memref<128x128xf32, #tpu.memory_space<vmem>>) target_semaphore(%arg10 : memref<!tpu.dma_semaphore, #tpu.memory_space<semaphore_mem>>)
      %gt3A_79 = arith.constant 0 : i32
      %gt3A_80 = arith.cmpi sgt, %scan3A_65, %gt3A_79 : i32
      %convert_element_type3A_81 = arith.extui %gt3A_80 : i1 to i32
      %cond3A_82 = arith.constant 0 : i32
      %cond3A_83 = arith.cmpi ne, %convert_element_type3A_81, %cond3A_82 : i32
      scf.if %cond3A_83 {
        %dma_wait3A_127 = arith.constant 0 : i32
        %dma_wait3A_128 = arith.constant 0 : i32
        %dma_wait3A_129 = tpu.memref_slice %arg6[%dma_wait3A_127, %dma_wait3A_128] : memref<79x128xi32, #tpu.memory_space<vmem>> -> memref<1x128xi32, #tpu.memory_space<vmem>>
        %dma_wait3A_130 = tpu.memref_squeeze %dma_wait3A_129 : memref<1x128xi32, #tpu.memory_space<vmem>> -> memref<128xi32, #tpu.memory_space<vmem>>
        %dma_wait3A_131 = arith.constant 0 : i32
        %dma_wait3A_132 = arith.constant 0 : i32
        %dma_wait3A_133 = tpu.memref_slice %arg7[%dma_wait3A_131, %dma_wait3A_132] : memref<10112x128xf32, #tpu.memory_space<vmem_shared>> -> memref<10112x128xf32, #tpu.memory_space<vmem_shared>>
        tpu.wait_indirect_dma semaphore(%arg13 : memref<!tpu.dma_semaphore, #tpu.memory_space<semaphore_mem>>) src(%arg9 : memref<128x128xf32, #tpu.memory_space<vmem>>) dst(%dma_wait3A_133 : memref<10112x128xf32, #tpu.memory_space<vmem_shared>>)
      } else {
      }
      %mul3A_84 = arith.constant 2 : i32
      %mul3A_85 = arith.muli %scan3A_65, %mul3A_84 : i32
      %add3A_86 = arith.constant 1 : i32
      %add3A_87 = arith.addi %mul3A_85, %add3A_86 : i32
      %mul3A_88 = arith.constant 128 : i32
      %mul3A_89 = arith.muli %add3A_87, %mul3A_88 : i32
      %add3A_90 = arith.addi %mul3A_2, %mul3A_89 : i32
      %dma_start3A_91 = arith.constant 0 : i32
      %dma_start3A_92 = tpu.memref_slice %arg2[%add3A_90, %dma_start3A_91] : memref<323584x128xf32, #tpu.memory_space<hbm>> -> memref<128x128xf32, #tpu.memory_space<hbm>>
      %dma_start3A_93 = arith.constant 0 : i32
      %dma_start3A_94 = tpu.memref_slice %arg2[%add3A_90, %dma_start3A_93] : memref<323584x128xf32, #tpu.memory_space<hbm>> -> memref<128x128xf32, #tpu.memory_space<hbm>>
      tpu.enqueue_dma source(%dma_start3A_94 : memref<128x128xf32, #tpu.memory_space<hbm>>) target(%arg9 : memref<128x128xf32, #tpu.memory_space<vmem>>) target_semaphore(%arg11 : memref<!tpu.dma_semaphore, #tpu.memory_space<semaphore_mem>>)
      %dma_wait3A_95 = arith.constant 0 : i32
      %dma_wait3A_96 = arith.constant 0 : i32
      %dma_wait3A_97 = tpu.memref_slice %arg2[%dma_wait3A_95, %dma_wait3A_96] : memref<323584x128xf32, #tpu.memory_space<hbm>> -> memref<128x128xf32, #tpu.memory_space<hbm>>
      %dma_wait3A_98 = arith.constant 0 : i32
      %dma_wait3A_99 = arith.constant 0 : i32
      %dma_wait3A_100 = tpu.memref_slice %arg2[%dma_wait3A_98, %dma_wait3A_99] : memref<323584x128xf32, #tpu.memory_space<hbm>> -> memref<128x128xf32, #tpu.memory_space<hbm>>
      tpu.wait_dma2 semaphore(%arg10 : memref<!tpu.dma_semaphore, #tpu.memory_space<semaphore_mem>>) src(%dma_wait3A_100 : memref<128x128xf32, #tpu.memory_space<hbm>>) dst(%arg8 : memref<128x128xf32, #tpu.memory_space<vmem>>)
      %mul3A_101 = arith.constant 2 : i32
      %mul3A_102 = arith.muli %scan3A_65, %mul3A_101 : i32
      %add3A_103 = arith.constant 0 : i32
      %add3A_104 = arith.addi %mul3A_102, %add3A_103 : i32
      %dma_start3A_105 = arith.constant 0 : i32
      %dma_start3A_106 = tpu.memref_slice %arg6[%add3A_104, %dma_start3A_105] : memref<79x128xi32, #tpu.memory_space<vmem>> -> memref<1x128xi32, #tpu.memory_space<vmem>>
      %dma_start3A_107 = tpu.memref_squeeze %dma_start3A_106 : memref<1x128xi32, #tpu.memory_space<vmem>> -> memref<128xi32, #tpu.memory_space<vmem>>
      %dma_start3A_108 = arith.constant 0 : i32
      %dma_start3A_109 = arith.constant 0 : i32
      %dma_start3A_110 = tpu.memref_slice %arg7[%dma_start3A_108, %dma_start3A_109] : memref<10112x128xf32, #tpu.memory_space<vmem_shared>> -> memref<10112x128xf32, #tpu.memory_space<vmem_shared>>
      tpu.enqueue_indirect_dma source(%arg8 : memref<128x128xf32, #tpu.memory_space<vmem>>) target(%dma_start3A_110 : memref<10112x128xf32, #tpu.memory_space<vmem_shared>>) offsets(%dma_start3A_107 : memref<128xi32, #tpu.memory_space<vmem>>) semaphore(%arg12 : memref<!tpu.dma_semaphore, #tpu.memory_space<semaphore_mem>>) {add = true}
      %dma_wait3A_111 = arith.constant 0 : i32
      %dma_wait3A_112 = arith.constant 0 : i32
      %dma_wait3A_113 = tpu.memref_slice %arg2[%dma_wait3A_111, %dma_wait3A_112] : memref<323584x128xf32, #tpu.memory_space<hbm>> -> memref<128x128xf32, #tpu.memory_space<hbm>>
      %dma_wait3A_114 = arith.constant 0 : i32
      %dma_wait3A_115 = arith.constant 0 : i32
      %dma_wait3A_116 = tpu.memref_slice %arg2[%dma_wait3A_114, %dma_wait3A_115] : memref<323584x128xf32, #tpu.memory_space<hbm>> -> memref<128x128xf32, #tpu.memory_space<hbm>>
      tpu.wait_dma2 semaphore(%arg11 : memref<!tpu.dma_semaphore, #tpu.memory_space<semaphore_mem>>) src(%dma_wait3A_116 : memref<128x128xf32, #tpu.memory_space<hbm>>) dst(%arg9 : memref<128x128xf32, #tpu.memory_space<vmem>>)
      %mul3A_117 = arith.constant 2 : i32
      %mul3A_118 = arith.muli %scan3A_65, %mul3A_117 : i32
      %add3A_119 = arith.constant 1 : i32
      %add3A_120 = arith.addi %mul3A_118, %add3A_119 : i32
      %dma_start3A_121 = arith.constant 0 : i32
      %dma_start3A_122 = tpu.memref_slice %arg6[%add3A_120, %dma_start3A_121] : memref<79x128xi32, #tpu.memory_space<vmem>> -> memref<1x128xi32, #tpu.memory_space<vmem>>
      %dma_start3A_123 = tpu.memref_squeeze %dma_start3A_122 : memref<1x128xi32, #tpu.memory_space<vmem>> -> memref<128xi32, #tpu.memory_space<vmem>>
      %dma_start3A_124 = arith.constant 0 : i32
      %dma_start3A_125 = arith.constant 0 : i32
      %dma_start3A_126 = tpu.memref_slice %arg7[%dma_start3A_124, %dma_start3A_125] : memref<10112x128xf32, #tpu.memory_space<vmem_shared>> -> memref<10112x128xf32, #tpu.memory_space<vmem_shared>>
      tpu.enqueue_indirect_dma source(%arg9 : memref<128x128xf32, #tpu.memory_space<vmem>>) target(%dma_start3A_126 : memref<10112x128xf32, #tpu.memory_space<vmem_shared>>) offsets(%dma_start3A_123 : memref<128xi32, #tpu.memory_space<vmem>>) semaphore(%arg13 : memref<!tpu.dma_semaphore, #tpu.memory_space<semaphore_mem>>) {add = true}
    }
    %scan3A_23 = arith.constant 39 : i32
    %dma_wait3A_24 = arith.constant 0 : i32
    %dma_wait3A_25 = arith.constant 0 : i32
    %dma_wait3A_26 = tpu.memref_slice %arg6[%dma_wait3A_24, %dma_wait3A_25] : memref<79x128xi32, #tpu.memory_space<vmem>> -> memref<1x128xi32, #tpu.memory_space<vmem>>
    %dma_wait3A_27 = tpu.memref_squeeze %dma_wait3A_26 : memref<1x128xi32, #tpu.memory_space<vmem>> -> memref<128xi32, #tpu.memory_space<vmem>>
    %dma_wait3A_28 = arith.constant 0 : i32
    %dma_wait3A_29 = arith.constant 0 : i32
    %dma_wait3A_30 = tpu.memref_slice %arg7[%dma_wait3A_28, %dma_wait3A_29] : memref<10112x128xf32, #tpu.memory_space<vmem_shared>> -> memref<10112x128xf32, #tpu.memory_space<vmem_shared>>
    tpu.wait_indirect_dma semaphore(%arg12 : memref<!tpu.dma_semaphore, #tpu.memory_space<semaphore_mem>>) src(%arg8 : memref<128x128xf32, #tpu.memory_space<vmem>>) dst(%dma_wait3A_30 : memref<10112x128xf32, #tpu.memory_space<vmem_shared>>)
    %dma_wait3A_31 = arith.constant 0 : i32
    %dma_wait3A_32 = arith.constant 0 : i32
    %dma_wait3A_33 = tpu.memref_slice %arg6[%dma_wait3A_31, %dma_wait3A_32] : memref<79x128xi32, #tpu.memory_space<vmem>> -> memref<1x128xi32, #tpu.memory_space<vmem>>
    %dma_wait3A_34 = tpu.memref_squeeze %dma_wait3A_33 : memref<1x128xi32, #tpu.memory_space<vmem>> -> memref<128xi32, #tpu.memory_space<vmem>>
    %dma_wait3A_35 = arith.constant 0 : i32
    %dma_wait3A_36 = arith.constant 0 : i32
    %dma_wait3A_37 = tpu.memref_slice %arg7[%dma_wait3A_35, %dma_wait3A_36] : memref<10112x128xf32, #tpu.memory_space<vmem_shared>> -> memref<10112x128xf32, #tpu.memory_space<vmem_shared>>
    tpu.wait_indirect_dma semaphore(%arg13 : memref<!tpu.dma_semaphore, #tpu.memory_space<semaphore_mem>>) src(%arg9 : memref<128x128xf32, #tpu.memory_space<vmem>>) dst(%dma_wait3A_37 : memref<10112x128xf32, #tpu.memory_space<vmem_shared>>)
    %add3A_38 = arith.constant 9984 : i32
    %add3A_39 = arith.addi %mul3A_2, %add3A_38 : i32
    %dma_start3A_40 = arith.constant 0 : i32
    %dma_start3A_41 = tpu.memref_slice %arg2[%add3A_39, %dma_start3A_40] : memref<323584x128xf32, #tpu.memory_space<hbm>> -> memref<128x128xf32, #tpu.memory_space<hbm>>
    %dma_start3A_42 = arith.constant 0 : i32
    %dma_start3A_43 = tpu.memref_slice %arg2[%add3A_39, %dma_start3A_42] : memref<323584x128xf32, #tpu.memory_space<hbm>> -> memref<128x128xf32, #tpu.memory_space<hbm>>
    tpu.enqueue_dma source(%dma_start3A_43 : memref<128x128xf32, #tpu.memory_space<hbm>>) target(%arg8 : memref<128x128xf32, #tpu.memory_space<vmem>>) target_semaphore(%arg10 : memref<!tpu.dma_semaphore, #tpu.memory_space<semaphore_mem>>)
    %dma_wait3A_44 = arith.constant 0 : i32
    %dma_wait3A_45 = arith.constant 0 : i32
    %dma_wait3A_46 = tpu.memref_slice %arg2[%dma_wait3A_44, %dma_wait3A_45] : memref<323584x128xf32, #tpu.memory_space<hbm>> -> memref<128x128xf32, #tpu.memory_space<hbm>>
    %dma_wait3A_47 = arith.constant 0 : i32
    %dma_wait3A_48 = arith.constant 0 : i32
    %dma_wait3A_49 = tpu.memref_slice %arg2[%dma_wait3A_47, %dma_wait3A_48] : memref<323584x128xf32, #tpu.memory_space<hbm>> -> memref<128x128xf32, #tpu.memory_space<hbm>>
    tpu.wait_dma2 semaphore(%arg10 : memref<!tpu.dma_semaphore, #tpu.memory_space<semaphore_mem>>) src(%dma_wait3A_49 : memref<128x128xf32, #tpu.memory_space<hbm>>) dst(%arg8 : memref<128x128xf32, #tpu.memory_space<vmem>>)
    %dma_start3A_50 = arith.constant 78 : i32
    %dma_start3A_51 = arith.constant 0 : i32
    %dma_start3A_52 = tpu.memref_slice %arg6[%dma_start3A_50, %dma_start3A_51] : memref<79x128xi32, #tpu.memory_space<vmem>> -> memref<1x128xi32, #tpu.memory_space<vmem>>
    %dma_start3A_53 = tpu.memref_squeeze %dma_start3A_52 : memref<1x128xi32, #tpu.memory_space<vmem>> -> memref<128xi32, #tpu.memory_space<vmem>>
    %dma_start3A_54 = arith.constant 0 : i32
    %dma_start3A_55 = arith.constant 0 : i32
    %dma_start3A_56 = tpu.memref_slice %arg7[%dma_start3A_54, %dma_start3A_55] : memref<10112x128xf32, #tpu.memory_space<vmem_shared>> -> memref<10112x128xf32, #tpu.memory_space<vmem_shared>>
    tpu.enqueue_indirect_dma source(%arg8 : memref<128x128xf32, #tpu.memory_space<vmem>>) target(%dma_start3A_56 : memref<10112x128xf32, #tpu.memory_space<vmem_shared>>) offsets(%dma_start3A_53 : memref<128xi32, #tpu.memory_space<vmem>>) semaphore(%arg12 : memref<!tpu.dma_semaphore, #tpu.memory_space<semaphore_mem>>) {add = true}
    %dma_wait3A_57 = arith.constant 0 : i32
    %dma_wait3A_58 = arith.constant 0 : i32
    %dma_wait3A_59 = tpu.memref_slice %arg6[%dma_wait3A_57, %dma_wait3A_58] : memref<79x128xi32, #tpu.memory_space<vmem>> -> memref<1x128xi32, #tpu.memory_space<vmem>>
    %dma_wait3A_60 = tpu.memref_squeeze %dma_wait3A_59 : memref<1x128xi32, #tpu.memory_space<vmem>> -> memref<128xi32, #tpu.memory_space<vmem>>
    %dma_wait3A_61 = arith.constant 0 : i32
    %dma_wait3A_62 = arith.constant 0 : i32
    %dma_wait3A_63 = tpu.memref_slice %arg7[%dma_wait3A_61, %dma_wait3A_62] : memref<10112x128xf32, #tpu.memory_space<vmem_shared>> -> memref<10112x128xf32, #tpu.memory_space<vmem_shared>>
    tpu.wait_indirect_dma semaphore(%arg12 : memref<!tpu.dma_semaphore, #tpu.memory_space<semaphore_mem>>) src(%arg8 : memref<128x128xf32, #tpu.memory_space<vmem>>) dst(%dma_wait3A_63 : memref<10112x128xf32, #tpu.memory_space<vmem_shared>>)
    %barrier3A_64 = arith.constant 0 : index
    tpu.barrier barrier_id(%barrier3A_64)
    "tpu.region"() ({
      %run_scoped3A = tpu.sem_alloc : memref<!tpu.dma_semaphore, #tpu.memory_space<semaphore_mem>>
      %dma_start3A_65 = arith.constant 0 : i32
      %dma_start3A_66 = arith.constant 0 : i32
      %dma_start3A_67 = tpu.memref_slice %arg5[%arg0, %dma_start3A_65, %dma_start3A_66] : memref<2x10112x128xf32, #tpu.memory_space<hbm>> -> memref<1x10112x128xf32, #tpu.memory_space<hbm>>
      %dma_start3A_68 = tpu.memref_squeeze %dma_start3A_67 : memref<1x10112x128xf32, #tpu.memory_space<hbm>> -> memref<10112x128xf32, #tpu.memory_space<hbm>>
      %dma_start3A_69 = arith.constant 0 : i32
      %dma_start3A_70 = tpu.memref_slice %dma_start3A_68[%mul3A_4, %dma_start3A_69] : memref<10112x128xf32, #tpu.memory_space<hbm>> -> memref<632x128xf32, #tpu.memory_space<hbm>>
      %dma_start3A_71 = arith.constant 0 : i32
      %dma_start3A_72 = tpu.memref_slice %arg7[%mul3A_4, %dma_start3A_71] : memref<10112x128xf32, #tpu.memory_space<vmem_shared>> -> memref<632x128xf32, #tpu.memory_space<vmem_shared>>
      tpu.enqueue_dma source(%dma_start3A_72 : memref<632x128xf32, #tpu.memory_space<vmem_shared>>) target(%dma_start3A_70 : memref<632x128xf32, #tpu.memory_space<hbm>>) target_semaphore(%run_scoped3A : memref<!tpu.dma_semaphore, #tpu.memory_space<semaphore_mem>>)
      %dma_wait3A_73 = arith.constant 0 : i32
      %dma_wait3A_74 = arith.constant 0 : i32
      %dma_wait3A_75 = tpu.memref_slice %arg5[%arg0, %dma_wait3A_73, %dma_wait3A_74] : memref<2x10112x128xf32, #tpu.memory_space<hbm>> -> memref<1x10112x128xf32, #tpu.memory_space<hbm>>
      %dma_wait3A_76 = tpu.memref_squeeze %dma_wait3A_75 : memref<1x10112x128xf32, #tpu.memory_space<hbm>> -> memref<10112x128xf32, #tpu.memory_space<hbm>>
      %dma_wait3A_77 = arith.constant 0 : i32
      %dma_wait3A_78 = tpu.memref_slice %dma_wait3A_76[%mul3A_4, %dma_wait3A_77] : memref<10112x128xf32, #tpu.memory_space<hbm>> -> memref<632x128xf32, #tpu.memory_space<hbm>>
      %dma_wait3A_79 = arith.constant 0 : i32
      %dma_wait3A_80 = tpu.memref_slice %arg7[%mul3A_4, %dma_wait3A_79] : memref<10112x128xf32, #tpu.memory_space<vmem_shared>> -> memref<632x128xf32, #tpu.memory_space<vmem_shared>>
      tpu.wait_dma2 semaphore(%run_scoped3A : memref<!tpu.dma_semaphore, #tpu.memory_space<semaphore_mem>>) src(%dma_wait3A_80 : memref<632x128xf32, #tpu.memory_space<vmem_shared>>) dst(%dma_wait3A_78 : memref<632x128xf32, #tpu.memory_space<hbm>>)
      tpu.yield
    }) : () -> ()
    return
  }
}

#map = affine_map<(d0, d1) -> (0, 0)>
#map1 = affine_map<(d0, d1) -> (0)>
module attributes {stable_mosaic.version = 14 : i64} {
  func.func @_sc_gather(%arg0: i32, %arg1: i32, %arg2: memref<10000x128xf32, #tpu.memory_space<hbm>>, %arg3: memref<323584xi32, #tpu.memory_space<hbm>>, %arg4: memref<323584xi32, #tpu.memory_space<hbm>>, %arg5: memref<323584x128xf32, #tpu.memory_space<hbm>>, %arg6: memref<323584x128xf32, #tpu.memory_space<hbm>>, %arg7: memref<128xi32, #tpu.memory_space<vmem>>, %arg8: memref<128xi32, #tpu.memory_space<vmem>>, %arg9: memref<128x128xf32, #tpu.memory_space<vmem>>, %arg10: memref<128x128xf32, #tpu.memory_space<vmem>>, %arg11: memref<!tpu.dma_semaphore, #tpu.memory_space<semaphore_mem>>, %arg12: memref<!tpu.dma_semaphore, #tpu.memory_space<semaphore_mem>>) attributes {dimension_semantics = [#tpu.dimension_semantics<core_parallel>, #tpu.dimension_semantics<subcore_parallel>], iteration_bounds = array<i64: 2, 16>, scalar_prefetch = 0 : i64, scratch_operands = 6 : i64, tpu.core_type = #tpu.core_type<sc_vector_subcore>, window_params = [{transform_indices = #map}, {transform_indices = #map1}, {transform_indices = #map1}, {transform_indices = #map}, {transform_indices = #map}]} {
    %mul3A = arith.constant 2 : i32
    %mul3A_0 = arith.muli %arg1, %mul3A : i32
    %add3A = arith.addi %mul3A_0, %arg0 : i32
    %mul3A_1 = arith.constant 10112 : i32
    %mul3A_2 = arith.muli %add3A, %mul3A_1 : i32
    %scan3A = arith.constant 0 : i32
    %scan3A_3 = arith.constant 0 : i32
    %scan3A_4 = arith.constant 79 : i32
    %scan3A_5 = arith.addi %scan3A_3, %scan3A_4 : i32
    %scan3A_6 = arith.constant 1 : i32
    scf.for %scan3A_8 = %scan3A_3 to %scan3A_5 step %scan3A_6  : i32 {
      %mul3A_9 = arith.constant 128 : i32
      %mul3A_10 = arith.muli %scan3A_8, %mul3A_9 : i32
      %add3A_11 = arith.addi %mul3A_2, %mul3A_10 : i32
      "tpu.region"() ({
        %run_scoped3A = tpu.sem_alloc : memref<!tpu.dma_semaphore, #tpu.memory_space<semaphore_mem>>
        %dma_start3A_22 = tpu.memref_slice %arg3[%add3A_11] : memref<323584xi32, #tpu.memory_space<hbm>> -> memref<128xi32, #tpu.memory_space<hbm>>
        %dma_start3A_23 = tpu.memref_slice %arg3[%add3A_11] : memref<323584xi32, #tpu.memory_space<hbm>> -> memref<128xi32, #tpu.memory_space<hbm>>
        tpu.enqueue_dma source(%dma_start3A_23 : memref<128xi32, #tpu.memory_space<hbm>>) target(%arg7 : memref<128xi32, #tpu.memory_space<vmem>>) target_semaphore(%run_scoped3A : memref<!tpu.dma_semaphore, #tpu.memory_space<semaphore_mem>>)
        %dma_wait3A_24 = tpu.memref_slice %arg3[%add3A_11] : memref<323584xi32, #tpu.memory_space<hbm>> -> memref<128xi32, #tpu.memory_space<hbm>>
        %dma_wait3A_25 = tpu.memref_slice %arg3[%add3A_11] : memref<323584xi32, #tpu.memory_space<hbm>> -> memref<128xi32, #tpu.memory_space<hbm>>
        tpu.wait_dma2 semaphore(%run_scoped3A : memref<!tpu.dma_semaphore, #tpu.memory_space<semaphore_mem>>) src(%dma_wait3A_25 : memref<128xi32, #tpu.memory_space<hbm>>) dst(%arg7 : memref<128xi32, #tpu.memory_space<vmem>>)
        tpu.yield
      }) : () -> ()
      "tpu.region"() ({
        %run_scoped3A = tpu.sem_alloc : memref<!tpu.dma_semaphore, #tpu.memory_space<semaphore_mem>>
        %dma_start3A_22 = tpu.memref_slice %arg4[%add3A_11] : memref<323584xi32, #tpu.memory_space<hbm>> -> memref<128xi32, #tpu.memory_space<hbm>>
        %dma_start3A_23 = tpu.memref_slice %arg4[%add3A_11] : memref<323584xi32, #tpu.memory_space<hbm>> -> memref<128xi32, #tpu.memory_space<hbm>>
        tpu.enqueue_dma source(%dma_start3A_23 : memref<128xi32, #tpu.memory_space<hbm>>) target(%arg8 : memref<128xi32, #tpu.memory_space<vmem>>) target_semaphore(%run_scoped3A : memref<!tpu.dma_semaphore, #tpu.memory_space<semaphore_mem>>)
        %dma_wait3A_24 = tpu.memref_slice %arg4[%add3A_11] : memref<323584xi32, #tpu.memory_space<hbm>> -> memref<128xi32, #tpu.memory_space<hbm>>
        %dma_wait3A_25 = tpu.memref_slice %arg4[%add3A_11] : memref<323584xi32, #tpu.memory_space<hbm>> -> memref<128xi32, #tpu.memory_space<hbm>>
        tpu.wait_dma2 semaphore(%run_scoped3A : memref<!tpu.dma_semaphore, #tpu.memory_space<semaphore_mem>>) src(%dma_wait3A_25 : memref<128xi32, #tpu.memory_space<hbm>>) dst(%arg8 : memref<128xi32, #tpu.memory_space<vmem>>)
        tpu.yield
      }) : () -> ()
      %dma_start3A = arith.constant 0 : i32
      %dma_start3A_12 = arith.constant 0 : i32
      %dma_start3A_13 = tpu.memref_slice %arg2[%dma_start3A, %dma_start3A_12] : memref<10000x128xf32, #tpu.memory_space<hbm>> -> memref<10000x128xf32, #tpu.memory_space<hbm>>
      tpu.enqueue_indirect_dma source(%dma_start3A_13 : memref<10000x128xf32, #tpu.memory_space<hbm>>) target(%arg9 : memref<128x128xf32, #tpu.memory_space<vmem>>) offsets(%arg7 : memref<128xi32, #tpu.memory_space<vmem>>) semaphore(%arg11 : memref<!tpu.dma_semaphore, #tpu.memory_space<semaphore_mem>>)
      %dma_start3A_14 = arith.constant 0 : i32
      %dma_start3A_15 = arith.constant 0 : i32
      %dma_start3A_16 = tpu.memref_slice %arg2[%dma_start3A_14, %dma_start3A_15] : memref<10000x128xf32, #tpu.memory_space<hbm>> -> memref<10000x128xf32, #tpu.memory_space<hbm>>
      tpu.enqueue_indirect_dma source(%dma_start3A_16 : memref<10000x128xf32, #tpu.memory_space<hbm>>) target(%arg10 : memref<128x128xf32, #tpu.memory_space<vmem>>) offsets(%arg8 : memref<128xi32, #tpu.memory_space<vmem>>) semaphore(%arg12 : memref<!tpu.dma_semaphore, #tpu.memory_space<semaphore_mem>>)
      %dma_wait3A = arith.constant 0 : i32
      %dma_wait3A_17 = arith.constant 0 : i32
      %dma_wait3A_18 = tpu.memref_slice %arg2[%dma_wait3A, %dma_wait3A_17] : memref<10000x128xf32, #tpu.memory_space<hbm>> -> memref<10000x128xf32, #tpu.memory_space<hbm>>
      tpu.wait_indirect_dma semaphore(%arg11 : memref<!tpu.dma_semaphore, #tpu.memory_space<semaphore_mem>>) src(%dma_wait3A_18 : memref<10000x128xf32, #tpu.memory_space<hbm>>) dst(%arg9 : memref<128x128xf32, #tpu.memory_space<vmem>>)
      %dma_wait3A_19 = arith.constant 0 : i32
      %dma_wait3A_20 = arith.constant 0 : i32
      %dma_wait3A_21 = tpu.memref_slice %arg2[%dma_wait3A_19, %dma_wait3A_20] : memref<10000x128xf32, #tpu.memory_space<hbm>> -> memref<10000x128xf32, #tpu.memory_space<hbm>>
      tpu.wait_indirect_dma semaphore(%arg12 : memref<!tpu.dma_semaphore, #tpu.memory_space<semaphore_mem>>) src(%dma_wait3A_21 : memref<10000x128xf32, #tpu.memory_space<hbm>>) dst(%arg10 : memref<128x128xf32, #tpu.memory_space<vmem>>)
      "tpu.region"() ({
        %run_scoped3A = tpu.sem_alloc : memref<!tpu.dma_semaphore, #tpu.memory_space<semaphore_mem>>
        %dma_start3A_22 = arith.constant 0 : i32
        %dma_start3A_23 = tpu.memref_slice %arg5[%add3A_11, %dma_start3A_22] : memref<323584x128xf32, #tpu.memory_space<hbm>> -> memref<128x128xf32, #tpu.memory_space<hbm>>
        %dma_start3A_24 = arith.constant 0 : i32
        %dma_start3A_25 = tpu.memref_slice %arg5[%add3A_11, %dma_start3A_24] : memref<323584x128xf32, #tpu.memory_space<hbm>> -> memref<128x128xf32, #tpu.memory_space<hbm>>
        tpu.enqueue_dma source(%arg9 : memref<128x128xf32, #tpu.memory_space<vmem>>) target(%dma_start3A_25 : memref<128x128xf32, #tpu.memory_space<hbm>>) target_semaphore(%run_scoped3A : memref<!tpu.dma_semaphore, #tpu.memory_space<semaphore_mem>>)
        %dma_wait3A_26 = arith.constant 0 : i32
        %dma_wait3A_27 = tpu.memref_slice %arg5[%add3A_11, %dma_wait3A_26] : memref<323584x128xf32, #tpu.memory_space<hbm>> -> memref<128x128xf32, #tpu.memory_space<hbm>>
        %dma_wait3A_28 = arith.constant 0 : i32
        %dma_wait3A_29 = tpu.memref_slice %arg5[%add3A_11, %dma_wait3A_28] : memref<323584x128xf32, #tpu.memory_space<hbm>> -> memref<128x128xf32, #tpu.memory_space<hbm>>
        tpu.wait_dma2 semaphore(%run_scoped3A : memref<!tpu.dma_semaphore, #tpu.memory_space<semaphore_mem>>) src(%arg9 : memref<128x128xf32, #tpu.memory_space<vmem>>) dst(%dma_wait3A_29 : memref<128x128xf32, #tpu.memory_space<hbm>>)
        tpu.yield
      }) : () -> ()
      "tpu.region"() ({
        %run_scoped3A = tpu.sem_alloc : memref<!tpu.dma_semaphore, #tpu.memory_space<semaphore_mem>>
        %dma_start3A_22 = arith.constant 0 : i32
        %dma_start3A_23 = tpu.memref_slice %arg6[%add3A_11, %dma_start3A_22] : memref<323584x128xf32, #tpu.memory_space<hbm>> -> memref<128x128xf32, #tpu.memory_space<hbm>>
        %dma_start3A_24 = arith.constant 0 : i32
        %dma_start3A_25 = tpu.memref_slice %arg6[%add3A_11, %dma_start3A_24] : memref<323584x128xf32, #tpu.memory_space<hbm>> -> memref<128x128xf32, #tpu.memory_space<hbm>>
        tpu.enqueue_dma source(%arg10 : memref<128x128xf32, #tpu.memory_space<vmem>>) target(%dma_start3A_25 : memref<128x128xf32, #tpu.memory_space<hbm>>) target_semaphore(%run_scoped3A : memref<!tpu.dma_semaphore, #tpu.memory_space<semaphore_mem>>)
        %dma_wait3A_26 = arith.constant 0 : i32
        %dma_wait3A_27 = tpu.memref_slice %arg6[%add3A_11, %dma_wait3A_26] : memref<323584x128xf32, #tpu.memory_space<hbm>> -> memref<128x128xf32, #tpu.memory_space<hbm>>
        %dma_wait3A_28 = arith.constant 0 : i32
        %dma_wait3A_29 = tpu.memref_slice %arg6[%add3A_11, %dma_wait3A_28] : memref<323584x128xf32, #tpu.memory_space<hbm>> -> memref<128x128xf32, #tpu.memory_space<hbm>>
        tpu.wait_dma2 semaphore(%run_scoped3A : memref<!tpu.dma_semaphore, #tpu.memory_space<semaphore_mem>>) src(%arg10 : memref<128x128xf32, #tpu.memory_space<vmem>>) dst(%dma_wait3A_29 : memref<128x128xf32, #tpu.memory_space<hbm>>)
        tpu.yield
      }) : () -> ()
    }
    %scan3A_7 = arith.constant 79 : i32
    return
  }
}

module attributes {stable_mosaic.version = 14 : i64} {
  func.func @_edge_body(%arg0: i32, %arg1: memref<1600x128xf32, #tpu.memory_space<vmem>>, %arg2: memref<1600x128xf32, #tpu.memory_space<vmem>>, %arg3: memref<1600x128xf32, #tpu.memory_space<vmem>>, %arg4: memref<128x128xbf16, #tpu.memory_space<vmem>>, %arg5: memref<128x128xbf16, #tpu.memory_space<vmem>>, %arg6: memref<128x128xbf16, #tpu.memory_space<vmem>>, %arg7: memref<128x128xbf16, #tpu.memory_space<vmem>>, %arg8: memref<128x128xbf16, #tpu.memory_space<vmem>>, %arg9: memref<128x128xbf16, #tpu.memory_space<vmem>>, %arg10: memref<1x128xf32, #tpu.memory_space<vmem>>, %arg11: memref<1x128xf32, #tpu.memory_space<vmem>>, %arg12: memref<1x128xf32, #tpu.memory_space<vmem>>, %arg13: memref<1x128xf32, #tpu.memory_space<vmem>>, %arg14: memref<1x128xf32, #tpu.memory_space<vmem>>, %arg15: memref<1x128xf32, #tpu.memory_space<vmem>>, %arg16: memref<1x128xf32, #tpu.memory_space<vmem>>, %arg17: memref<1x128xf32, #tpu.memory_space<vmem>>, %arg18: memref<1x128xf32, #tpu.memory_space<vmem>>, %arg19: memref<1x128xf32, #tpu.memory_space<vmem>>, %arg20: memref<1600x128xf32, #tpu.memory_space<vmem>>, %arg21: memref<1600x128xf32, #tpu.memory_space<vmem>>) attributes {dimension_semantics = [#tpu.dimension_semantics<arbitrary>], iteration_bounds = array<i64: 200>, scalar_prefetch = 0 : i64, scratch_operands = 0 : i64, tpu.core_type = #tpu.core_type<tc>, window_params = [{transform_indices = @transform_0, window_bounds = array<i64: 1600, 128>}, {transform_indices = @transform_1, window_bounds = array<i64: 1600, 128>}, {transform_indices = @transform_2, window_bounds = array<i64: 1600, 128>}, {pipeline_mode = #tpu.pipeline_mode<synchronous>, transform_indices = @transform_3, window_bounds = array<i64: 128, 128>}, {pipeline_mode = #tpu.pipeline_mode<synchronous>, transform_indices = @transform_4, window_bounds = array<i64: 128, 128>}, {pipeline_mode = #tpu.pipeline_mode<synchronous>, transform_indices = @transform_5, window_bounds = array<i64: 128, 128>}, {pipeline_mode = #tpu.pipeline_mode<synchronous>, transform_indices = @transform_6, window_bounds = array<i64: 128, 128>}, {pipeline_mode = #tpu.pipeline_mode<synchronous>, transform_indices = @transform_7, window_bounds = array<i64: 128, 128>}, {pipeline_mode = #tpu.pipeline_mode<synchronous>, transform_indices = @transform_8, window_bounds = array<i64: 128, 128>}, {pipeline_mode = #tpu.pipeline_mode<synchronous>, transform_indices = @transform_9, window_bounds = array<i64: 1, 128>}, {pipeline_mode = #tpu.pipeline_mode<synchronous>, transform_indices = @transform_10, window_bounds = array<i64: 1, 128>}, {pipeline_mode = #tpu.pipeline_mode<synchronous>, transform_indices = @transform_11, window_bounds = array<i64: 1, 128>}, {pipeline_mode = #tpu.pipeline_mode<synchronous>, transform_indices = @transform_12, window_bounds = array<i64: 1, 128>}, {pipeline_mode = #tpu.pipeline_mode<synchronous>, transform_indices = @transform_13, window_bounds = array<i64: 1, 128>}, {pipeline_mode = #tpu.pipeline_mode<synchronous>, transform_indices = @transform_14, window_bounds = array<i64: 1, 128>}, {pipeline_mode = #tpu.pipeline_mode<synchronous>, transform_indices = @transform_15, window_bounds = array<i64: 1, 128>}, {pipeline_mode = #tpu.pipeline_mode<synchronous>, transform_indices = @transform_16, window_bounds = array<i64: 1, 128>}, {pipeline_mode = #tpu.pipeline_mode<synchronous>, transform_indices = @transform_17, window_bounds = array<i64: 1, 128>}, {pipeline_mode = #tpu.pipeline_mode<synchronous>, transform_indices = @transform_18, window_bounds = array<i64: 1, 128>}, {transform_indices = @transform_19, window_bounds = array<i64: 1600, 128>}, {transform_indices = @transform_20, window_bounds = array<i64: 1600, 128>}]} {
    %get3A = arith.constant 0 : index
    %get3A_0 = arith.constant 0 : index
    %get3A_1 = vector.load %arg1[%get3A, %get3A_0] : memref<1600x128xf32, #tpu.memory_space<vmem>>, vector<1600x128xf32>
    %get3A_2 = arith.constant 0 : index
    %get3A_3 = arith.constant 0 : index
    %get3A_4 = vector.load %arg4[%get3A_2, %get3A_3] : memref<128x128xbf16, #tpu.memory_space<vmem>>, vector<128x128xbf16>
    %convert_element_type3A = arith.truncf %get3A_1 : vector<1600x128xf32> to vector<1600x128xbf16>
    %dot_general3A = arith.constant dense<0.000000e+00> : vector<1600x128xf32>
    %dot_general3A_5 = tpu.matmul %convert_element_type3A, %get3A_4, %dot_general3A {dimension_numbers = #tpu.dot_dimension_numbers<[1], [0], [0], [1], [0, 0, 1, 1], [], []>, transpose_lhs_hint = false} : vector<1600x128xbf16>, vector<128x128xbf16>, vector<1600x128xf32> -> vector<1600x128xf32>
    %get3A_6 = arith.constant 0 : index
    %get3A_7 = arith.constant 0 : index
    %get3A_8 = vector.load %arg2[%get3A_6, %get3A_7] : memref<1600x128xf32, #tpu.memory_space<vmem>>, vector<1600x128xf32>
    %get3A_9 = arith.constant 0 : index
    %get3A_10 = arith.constant 0 : index
    %get3A_11 = vector.load %arg5[%get3A_9, %get3A_10] : memref<128x128xbf16, #tpu.memory_space<vmem>>, vector<128x128xbf16>
    %convert_element_type3A_12 = arith.truncf %get3A_8 : vector<1600x128xf32> to vector<1600x128xbf16>
    %dot_general3A_13 = arith.constant dense<0.000000e+00> : vector<1600x128xf32>
    %dot_general3A_14 = tpu.matmul %convert_element_type3A_12, %get3A_11, %dot_general3A_13 {dimension_numbers = #tpu.dot_dimension_numbers<[1], [0], [0], [1], [0, 0, 1, 1], [], []>, transpose_lhs_hint = false} : vector<1600x128xbf16>, vector<128x128xbf16>, vector<1600x128xf32> -> vector<1600x128xf32>
    %add3A = arith.addf %dot_general3A_5, %dot_general3A_14 : vector<1600x128xf32>
    %get3A_15 = arith.constant 0 : index
    %get3A_16 = arith.constant 0 : index
    %get3A_17 = vector.load %arg3[%get3A_15, %get3A_16] : memref<1600x128xf32, #tpu.memory_space<vmem>>, vector<1600x128xf32>
    %get3A_18 = arith.constant 0 : index
    %get3A_19 = arith.constant 0 : index
    %get3A_20 = vector.load %arg6[%get3A_18, %get3A_19] : memref<128x128xbf16, #tpu.memory_space<vmem>>, vector<128x128xbf16>
    %convert_element_type3A_21 = arith.truncf %get3A_17 : vector<1600x128xf32> to vector<1600x128xbf16>
    %dot_general3A_22 = arith.constant dense<0.000000e+00> : vector<1600x128xf32>
    %dot_general3A_23 = tpu.matmul %convert_element_type3A_21, %get3A_20, %dot_general3A_22 {dimension_numbers = #tpu.dot_dimension_numbers<[1], [0], [0], [1], [0, 0, 1, 1], [], []>, transpose_lhs_hint = false} : vector<1600x128xbf16>, vector<128x128xbf16>, vector<1600x128xf32> -> vector<1600x128xf32>
    %add3A_24 = arith.addf %add3A, %dot_general3A_23 : vector<1600x128xf32>
    %get3A_25 = arith.constant 0 : index
    %get3A_26 = arith.constant 0 : index
    %get3A_27 = vector.load %arg10[%get3A_25, %get3A_26] : memref<1x128xf32, #tpu.memory_space<vmem>>, vector<1x128xf32>
    %add3A_28 = vector.broadcast %get3A_27 : vector<1x128xf32> to vector<1600x128xf32>
    %add3A_29 = arith.addf %add3A_24, %add3A_28 : vector<1600x128xf32>
    %max3A = arith.constant 0.000000e+00 : f32
    %max3A_30 = vector.broadcast %max3A : f32 to vector<1600x128xf32>
    %max3A_31 = arith.maximumf %add3A_29, %max3A_30 : vector<1600x128xf32>
    %get3A_32 = arith.constant 0 : index
    %get3A_33 = arith.constant 0 : index
    %get3A_34 = vector.load %arg14[%get3A_32, %get3A_33] : memref<1x128xf32, #tpu.memory_space<vmem>>, vector<1x128xf32>
    %get3A_35 = arith.constant 0 : index
    %get3A_36 = arith.constant 0 : index
    %get3A_37 = vector.load %arg17[%get3A_35, %get3A_36] : memref<1x128xf32, #tpu.memory_space<vmem>>, vector<1x128xf32>
    %reduce_sum3A = arith.constant dense<0.000000e+00> : vector<1600xf32>
    %reduce_sum3A_38 = vector.multi_reduction <add>, %max3A_31, %reduce_sum3A [1] : vector<1600x128xf32> to vector<1600xf32>
    %broadcast_in_dim3A = vector.shape_cast %reduce_sum3A_38 : vector<1600xf32> to vector<1600x1xf32>
    %div3A = arith.constant 1.280000e+02 : f32
    %div3A_39 = vector.broadcast %div3A : f32 to vector<1600x1xf32>
    %div3A_40 = arith.divf %broadcast_in_dim3A, %div3A_39 : vector<1600x1xf32>
    %sub3A = vector.broadcast %div3A_40 : vector<1600x1xf32> to vector<1600x128xf32>
    %sub3A_41 = arith.subf %max3A_31, %sub3A : vector<1600x128xf32>
    %mul3A = arith.mulf %sub3A_41, %sub3A_41 : vector<1600x128xf32>
    %reduce_sum3A_42 = arith.constant dense<0.000000e+00> : vector<1600xf32>
    %reduce_sum3A_43 = vector.multi_reduction <add>, %mul3A, %reduce_sum3A_42 [1] : vector<1600x128xf32> to vector<1600xf32>
    %broadcast_in_dim3A_44 = vector.shape_cast %reduce_sum3A_43 : vector<1600xf32> to vector<1600x1xf32>
    %div3A_45 = arith.constant 1.280000e+02 : f32
    %div3A_46 = vector.broadcast %div3A_45 : f32 to vector<1600x1xf32>
    %div3A_47 = arith.divf %broadcast_in_dim3A_44, %div3A_46 : vector<1600x1xf32>
    %add3A_48 = arith.constant 9.99999974E-6 : f32
    %add3A_49 = vector.broadcast %add3A_48 : f32 to vector<1600x1xf32>
    %add3A_50 = arith.addf %div3A_47, %add3A_49 : vector<1600x1xf32>
    %rsqrt3A = math.rsqrt %add3A_50 : vector<1600x1xf32>
    %mul3A_51 = vector.broadcast %rsqrt3A : vector<1600x1xf32> to vector<1600x128xf32>
    %mul3A_52 = arith.mulf %sub3A_41, %mul3A_51 : vector<1600x128xf32>
    %mul3A_53 = vector.broadcast %get3A_34 : vector<1x128xf32> to vector<1600x128xf32>
    %mul3A_54 = arith.mulf %mul3A_52, %mul3A_53 : vector<1600x128xf32>
    %add3A_55 = vector.broadcast %get3A_37 : vector<1x128xf32> to vector<1600x128xf32>
    %add3A_56 = arith.addf %mul3A_54, %add3A_55 : vector<1600x128xf32>
    %get3A_57 = arith.constant 0 : index
    %get3A_58 = arith.constant 0 : index
    %get3A_59 = vector.load %arg7[%get3A_57, %get3A_58] : memref<128x128xbf16, #tpu.memory_space<vmem>>, vector<128x128xbf16>
    %convert_element_type3A_60 = arith.truncf %add3A_56 : vector<1600x128xf32> to vector<1600x128xbf16>
    %dot_general3A_61 = arith.constant dense<0.000000e+00> : vector<1600x128xf32>
    %dot_general3A_62 = tpu.matmul %convert_element_type3A_60, %get3A_59, %dot_general3A_61 {dimension_numbers = #tpu.dot_dimension_numbers<[1], [0], [0], [1], [0, 0, 1, 1], [], []>, transpose_lhs_hint = false} : vector<1600x128xbf16>, vector<128x128xbf16>, vector<1600x128xf32> -> vector<1600x128xf32>
    %get3A_63 = arith.constant 0 : index
    %get3A_64 = arith.constant 0 : index
    %get3A_65 = vector.load %arg11[%get3A_63, %get3A_64] : memref<1x128xf32, #tpu.memory_space<vmem>>, vector<1x128xf32>
    %add3A_66 = vector.broadcast %get3A_65 : vector<1x128xf32> to vector<1600x128xf32>
    %add3A_67 = arith.addf %dot_general3A_62, %add3A_66 : vector<1600x128xf32>
    %max3A_68 = arith.constant 0.000000e+00 : f32
    %max3A_69 = vector.broadcast %max3A_68 : f32 to vector<1600x128xf32>
    %max3A_70 = arith.maximumf %add3A_67, %max3A_69 : vector<1600x128xf32>
    %get3A_71 = arith.constant 0 : index
    %get3A_72 = arith.constant 0 : index
    %get3A_73 = vector.load %arg15[%get3A_71, %get3A_72] : memref<1x128xf32, #tpu.memory_space<vmem>>, vector<1x128xf32>
    %get3A_74 = arith.constant 0 : index
    %get3A_75 = arith.constant 0 : index
    %get3A_76 = vector.load %arg18[%get3A_74, %get3A_75] : memref<1x128xf32, #tpu.memory_space<vmem>>, vector<1x128xf32>
    %reduce_sum3A_77 = arith.constant dense<0.000000e+00> : vector<1600xf32>
    %reduce_sum3A_78 = vector.multi_reduction <add>, %max3A_70, %reduce_sum3A_77 [1] : vector<1600x128xf32> to vector<1600xf32>
    %broadcast_in_dim3A_79 = vector.shape_cast %reduce_sum3A_78 : vector<1600xf32> to vector<1600x1xf32>
    %div3A_80 = arith.constant 1.280000e+02 : f32
    %div3A_81 = vector.broadcast %div3A_80 : f32 to vector<1600x1xf32>
    %div3A_82 = arith.divf %broadcast_in_dim3A_79, %div3A_81 : vector<1600x1xf32>
    %sub3A_83 = vector.broadcast %div3A_82 : vector<1600x1xf32> to vector<1600x128xf32>
    %sub3A_84 = arith.subf %max3A_70, %sub3A_83 : vector<1600x128xf32>
    %mul3A_85 = arith.mulf %sub3A_84, %sub3A_84 : vector<1600x128xf32>
    %reduce_sum3A_86 = arith.constant dense<0.000000e+00> : vector<1600xf32>
    %reduce_sum3A_87 = vector.multi_reduction <add>, %mul3A_85, %reduce_sum3A_86 [1] : vector<1600x128xf32> to vector<1600xf32>
    %broadcast_in_dim3A_88 = vector.shape_cast %reduce_sum3A_87 : vector<1600xf32> to vector<1600x1xf32>
    %div3A_89 = arith.constant 1.280000e+02 : f32
    %div3A_90 = vector.broadcast %div3A_89 : f32 to vector<1600x1xf32>
    %div3A_91 = arith.divf %broadcast_in_dim3A_88, %div3A_90 : vector<1600x1xf32>
    %add3A_92 = arith.constant 9.99999974E-6 : f32
    %add3A_93 = vector.broadcast %add3A_92 : f32 to vector<1600x1xf32>
    %add3A_94 = arith.addf %div3A_91, %add3A_93 : vector<1600x1xf32>
    %rsqrt3A_95 = math.rsqrt %add3A_94 : vector<1600x1xf32>
    %mul3A_96 = vector.broadcast %rsqrt3A_95 : vector<1600x1xf32> to vector<1600x128xf32>
    %mul3A_97 = arith.mulf %sub3A_84, %mul3A_96 : vector<1600x128xf32>
    %mul3A_98 = vector.broadcast %get3A_73 : vector<1x128xf32> to vector<1600x128xf32>
    %mul3A_99 = arith.mulf %mul3A_97, %mul3A_98 : vector<1600x128xf32>
    %add3A_100 = vector.broadcast %get3A_76 : vector<1x128xf32> to vector<1600x128xf32>
    %add3A_101 = arith.addf %mul3A_99, %add3A_100 : vector<1600x128xf32>
    %get3A_102 = arith.constant 0 : index
    %get3A_103 = arith.constant 0 : index
    %get3A_104 = vector.load %arg8[%get3A_102, %get3A_103] : memref<128x128xbf16, #tpu.memory_space<vmem>>, vector<128x128xbf16>
    %convert_element_type3A_105 = arith.truncf %add3A_101 : vector<1600x128xf32> to vector<1600x128xbf16>
    %dot_general3A_106 = arith.constant dense<0.000000e+00> : vector<1600x128xf32>
    %dot_general3A_107 = tpu.matmul %convert_element_type3A_105, %get3A_104, %dot_general3A_106 {dimension_numbers = #tpu.dot_dimension_numbers<[1], [0], [0], [1], [0, 0, 1, 1], [], []>, transpose_lhs_hint = false} : vector<1600x128xbf16>, vector<128x128xbf16>, vector<1600x128xf32> -> vector<1600x128xf32>
    %get3A_108 = arith.constant 0 : index
    %get3A_109 = arith.constant 0 : index
    %get3A_110 = vector.load %arg12[%get3A_108, %get3A_109] : memref<1x128xf32, #tpu.memory_space<vmem>>, vector<1x128xf32>
    %add3A_111 = vector.broadcast %get3A_110 : vector<1x128xf32> to vector<1600x128xf32>
    %add3A_112 = arith.addf %dot_general3A_107, %add3A_111 : vector<1600x128xf32>
    %max3A_113 = arith.constant 0.000000e+00 : f32
    %max3A_114 = vector.broadcast %max3A_113 : f32 to vector<1600x128xf32>
    %max3A_115 = arith.maximumf %add3A_112, %max3A_114 : vector<1600x128xf32>
    %get3A_116 = arith.constant 0 : index
    %get3A_117 = arith.constant 0 : index
    %get3A_118 = vector.load %arg16[%get3A_116, %get3A_117] : memref<1x128xf32, #tpu.memory_space<vmem>>, vector<1x128xf32>
    %get3A_119 = arith.constant 0 : index
    %get3A_120 = arith.constant 0 : index
    %get3A_121 = vector.load %arg19[%get3A_119, %get3A_120] : memref<1x128xf32, #tpu.memory_space<vmem>>, vector<1x128xf32>
    %reduce_sum3A_122 = arith.constant dense<0.000000e+00> : vector<1600xf32>
    %reduce_sum3A_123 = vector.multi_reduction <add>, %max3A_115, %reduce_sum3A_122 [1] : vector<1600x128xf32> to vector<1600xf32>
    %broadcast_in_dim3A_124 = vector.shape_cast %reduce_sum3A_123 : vector<1600xf32> to vector<1600x1xf32>
    %div3A_125 = arith.constant 1.280000e+02 : f32
    %div3A_126 = vector.broadcast %div3A_125 : f32 to vector<1600x1xf32>
    %div3A_127 = arith.divf %broadcast_in_dim3A_124, %div3A_126 : vector<1600x1xf32>
    %sub3A_128 = vector.broadcast %div3A_127 : vector<1600x1xf32> to vector<1600x128xf32>
    %sub3A_129 = arith.subf %max3A_115, %sub3A_128 : vector<1600x128xf32>
    %mul3A_130 = arith.mulf %sub3A_129, %sub3A_129 : vector<1600x128xf32>
    %reduce_sum3A_131 = arith.constant dense<0.000000e+00> : vector<1600xf32>
    %reduce_sum3A_132 = vector.multi_reduction <add>, %mul3A_130, %reduce_sum3A_131 [1] : vector<1600x128xf32> to vector<1600xf32>
    %broadcast_in_dim3A_133 = vector.shape_cast %reduce_sum3A_132 : vector<1600xf32> to vector<1600x1xf32>
    %div3A_134 = arith.constant 1.280000e+02 : f32
    %div3A_135 = vector.broadcast %div3A_134 : f32 to vector<1600x1xf32>
    %div3A_136 = arith.divf %broadcast_in_dim3A_133, %div3A_135 : vector<1600x1xf32>
    %add3A_137 = arith.constant 9.99999974E-6 : f32
    %add3A_138 = vector.broadcast %add3A_137 : f32 to vector<1600x1xf32>
    %add3A_139 = arith.addf %div3A_136, %add3A_138 : vector<1600x1xf32>
    %rsqrt3A_140 = math.rsqrt %add3A_139 : vector<1600x1xf32>
    %mul3A_141 = vector.broadcast %rsqrt3A_140 : vector<1600x1xf32> to vector<1600x128xf32>
    %mul3A_142 = arith.mulf %sub3A_129, %mul3A_141 : vector<1600x128xf32>
    %mul3A_143 = vector.broadcast %get3A_118 : vector<1x128xf32> to vector<1600x128xf32>
    %mul3A_144 = arith.mulf %mul3A_142, %mul3A_143 : vector<1600x128xf32>
    %add3A_145 = vector.broadcast %get3A_121 : vector<1x128xf32> to vector<1600x128xf32>
    %add3A_146 = arith.addf %mul3A_144, %add3A_145 : vector<1600x128xf32>
    %get3A_147 = arith.constant 0 : index
    %get3A_148 = arith.constant 0 : index
    %get3A_149 = vector.load %arg9[%get3A_147, %get3A_148] : memref<128x128xbf16, #tpu.memory_space<vmem>>, vector<128x128xbf16>
    %convert_element_type3A_150 = arith.truncf %add3A_146 : vector<1600x128xf32> to vector<1600x128xbf16>
    %dot_general3A_151 = arith.constant dense<0.000000e+00> : vector<1600x128xf32>
    %dot_general3A_152 = tpu.matmul %convert_element_type3A_150, %get3A_149, %dot_general3A_151 {dimension_numbers = #tpu.dot_dimension_numbers<[1], [0], [0], [1], [0, 0, 1, 1], [], []>, transpose_lhs_hint = false} : vector<1600x128xbf16>, vector<128x128xbf16>, vector<1600x128xf32> -> vector<1600x128xf32>
    %get3A_153 = arith.constant 0 : index
    %get3A_154 = arith.constant 0 : index
    %get3A_155 = vector.load %arg13[%get3A_153, %get3A_154] : memref<1x128xf32, #tpu.memory_space<vmem>>, vector<1x128xf32>
    %add3A_156 = vector.broadcast %get3A_155 : vector<1x128xf32> to vector<1600x128xf32>
    %add3A_157 = arith.addf %dot_general3A_152, %add3A_156 : vector<1600x128xf32>
    %swap3A = arith.constant 0 : index
    %swap3A_158 = arith.constant 0 : index
    %swap3A_159 = vector.load %arg20[%swap3A, %swap3A_158] : memref<1600x128xf32, #tpu.memory_space<vmem>>, vector<1600x128xf32>
    tpu.vector_store %arg20[%swap3A, %swap3A_158], %add3A_157 {strides = array<i32>} : memref<1600x128xf32, #tpu.memory_space<vmem>>, vector<1600x128xf32>,
    %add3A_160 = arith.addf %get3A_1, %add3A_157 : vector<1600x128xf32>
    %swap3A_161 = arith.constant 0 : index
    %swap3A_162 = arith.constant 0 : index
    %swap3A_163 = vector.load %arg21[%swap3A_161, %swap3A_162] : memref<1600x128xf32, #tpu.memory_space<vmem>>, vector<1600x128xf32>
    tpu.vector_store %arg21[%swap3A_161, %swap3A_162], %add3A_160 {strides = array<i32>} : memref<1600x128xf32, #tpu.memory_space<vmem>>, vector<1600x128xf32>,
    return
  }
  func.func @transform_0(%arg0: i32) -> (i32, i32) {
    %c0_i32 = arith.constant 0 : i32
    %c0_i32_0 = arith.constant 0 : i32
    return %arg0, %c0_i32 : i32, i32
  }
  func.func @transform_1(%arg0: i32) -> (i32, i32) {
    %c0_i32 = arith.constant 0 : i32
    %c0_i32_0 = arith.constant 0 : i32
    return %arg0, %c0_i32 : i32, i32
  }
  func.func @transform_2(%arg0: i32) -> (i32, i32) {
    %c0_i32 = arith.constant 0 : i32
    %c0_i32_0 = arith.constant 0 : i32
    return %arg0, %c0_i32 : i32, i32
  }
  func.func @transform_3(%arg0: i32) -> (i32, i32) {
    %c0_i32 = arith.constant 0 : i32
    %c0_i32_0 = arith.constant 0 : i32
    %c0_i32_1 = arith.constant 0 : i32
    return %c0_i32, %c0_i32_0 : i32, i32
  }
  func.func @transform_4(%arg0: i32) -> (i32, i32) {
    %c0_i32 = arith.constant 0 : i32
    %c0_i32_0 = arith.constant 0 : i32
    %c0_i32_1 = arith.constant 0 : i32
    return %c0_i32, %c0_i32_0 : i32, i32
  }
  func.func @transform_5(%arg0: i32) -> (i32, i32) {
    %c0_i32 = arith.constant 0 : i32
    %c0_i32_0 = arith.constant 0 : i32
    %c0_i32_1 = arith.constant 0 : i32
    return %c0_i32, %c0_i32_0 : i32, i32
  }
  func.func @transform_6(%arg0: i32) -> (i32, i32) {
    %c0_i32 = arith.constant 0 : i32
    %c0_i32_0 = arith.constant 0 : i32
    %c0_i32_1 = arith.constant 0 : i32
    return %c0_i32, %c0_i32_0 : i32, i32
  }
  func.func @transform_7(%arg0: i32) -> (i32, i32) {
    %c0_i32 = arith.constant 0 : i32
    %c0_i32_0 = arith.constant 0 : i32
    %c0_i32_1 = arith.constant 0 : i32
    return %c0_i32, %c0_i32_0 : i32, i32
  }
  func.func @transform_8(%arg0: i32) -> (i32, i32) {
    %c0_i32 = arith.constant 0 : i32
    %c0_i32_0 = arith.constant 0 : i32
    %c0_i32_1 = arith.constant 0 : i32
    return %c0_i32, %c0_i32_0 : i32, i32
  }
  func.func @transform_9(%arg0: i32) -> (i32, i32) {
    %c0_i32 = arith.constant 0 : i32
    %c0_i32_0 = arith.constant 0 : i32
    %c0_i32_1 = arith.constant 0 : i32
    return %c0_i32, %c0_i32_0 : i32, i32
  }
  func.func @transform_10(%arg0: i32) -> (i32, i32) {
    %c0_i32 = arith.constant 0 : i32
    %c0_i32_0 = arith.constant 0 : i32
    %c0_i32_1 = arith.constant 0 : i32
    return %c0_i32, %c0_i32_0 : i32, i32
  }
  func.func @transform_11(%arg0: i32) -> (i32, i32) {
    %c0_i32 = arith.constant 0 : i32
    %c0_i32_0 = arith.constant 0 : i32
    %c0_i32_1 = arith.constant 0 : i32
    return %c0_i32, %c0_i32_0 : i32, i32
  }
  func.func @transform_12(%arg0: i32) -> (i32, i32) {
    %c0_i32 = arith.constant 0 : i32
    %c0_i32_0 = arith.constant 0 : i32
    %c0_i32_1 = arith.constant 0 : i32
    return %c0_i32, %c0_i32_0 : i32, i32
  }
  func.func @transform_13(%arg0: i32) -> (i32, i32) {
    %c0_i32 = arith.constant 0 : i32
    %c0_i32_0 = arith.constant 0 : i32
    %c0_i32_1 = arith.constant 0 : i32
    return %c0_i32, %c0_i32_0 : i32, i32
  }
  func.func @transform_14(%arg0: i32) -> (i32, i32) {
    %c0_i32 = arith.constant 0 : i32
    %c0_i32_0 = arith.constant 0 : i32
    %c0_i32_1 = arith.constant 0 : i32
    return %c0_i32, %c0_i32_0 : i32, i32
  }
  func.func @transform_15(%arg0: i32) -> (i32, i32) {
    %c0_i32 = arith.constant 0 : i32
    %c0_i32_0 = arith.constant 0 : i32
    %c0_i32_1 = arith.constant 0 : i32
    return %c0_i32, %c0_i32_0 : i32, i32
  }
  func.func @transform_16(%arg0: i32) -> (i32, i32) {
    %c0_i32 = arith.constant 0 : i32
    %c0_i32_0 = arith.constant 0 : i32
    %c0_i32_1 = arith.constant 0 : i32
    return %c0_i32, %c0_i32_0 : i32, i32
  }
  func.func @transform_17(%arg0: i32) -> (i32, i32) {
    %c0_i32 = arith.constant 0 : i32
    %c0_i32_0 = arith.constant 0 : i32
    %c0_i32_1 = arith.constant 0 : i32
    return %c0_i32, %c0_i32_0 : i32, i32
  }
  func.func @transform_18(%arg0: i32) -> (i32, i32) {
    %c0_i32 = arith.constant 0 : i32
    %c0_i32_0 = arith.constant 0 : i32
    %c0_i32_1 = arith.constant 0 : i32
    return %c0_i32, %c0_i32_0 : i32, i32
  }
  func.func @transform_19(%arg0: i32) -> (i32, i32) {
    %c0_i32 = arith.constant 0 : i32
    %c0_i32_0 = arith.constant 0 : i32
    return %arg0, %c0_i32 : i32, i32
  }
  func.func @transform_20(%arg0: i32) -> (i32, i32) {
    %c0_i32 = arith.constant 0 : i32
    %c0_i32_0 = arith.constant 0 : i32
    return %arg0, %c0_i32 : i32, i32
  }
}

module attributes {stable_mosaic.version = 14 : i64} {
  func.func @_node_body(%arg0: i32, %arg1: memref<1000x128xf32, #tpu.memory_space<vmem>>, %arg2: memref<1x1000x128xf32, #tpu.memory_space<vmem>>, %arg3: memref<1x1000x128xf32, #tpu.memory_space<vmem>>, %arg4: memref<128x128xbf16, #tpu.memory_space<vmem>>, %arg5: memref<128x128xbf16, #tpu.memory_space<vmem>>, %arg6: memref<128x128xbf16, #tpu.memory_space<vmem>>, %arg7: memref<128x128xbf16, #tpu.memory_space<vmem>>, %arg8: memref<128x128xbf16, #tpu.memory_space<vmem>>, %arg9: memref<1x128xf32, #tpu.memory_space<vmem>>, %arg10: memref<1x128xf32, #tpu.memory_space<vmem>>, %arg11: memref<1x128xf32, #tpu.memory_space<vmem>>, %arg12: memref<1x128xf32, #tpu.memory_space<vmem>>, %arg13: memref<1x128xf32, #tpu.memory_space<vmem>>, %arg14: memref<1x128xf32, #tpu.memory_space<vmem>>, %arg15: memref<1x128xf32, #tpu.memory_space<vmem>>, %arg16: memref<1x128xf32, #tpu.memory_space<vmem>>, %arg17: memref<1x128xf32, #tpu.memory_space<vmem>>, %arg18: memref<1x128xf32, #tpu.memory_space<vmem>>, %arg19: memref<1000x128xf32, #tpu.memory_space<vmem>>) attributes {dimension_semantics = [#tpu.dimension_semantics<arbitrary>], iteration_bounds = array<i64: 10>, scalar_prefetch = 0 : i64, scratch_operands = 0 : i64, tpu.core_type = #tpu.core_type<tc>, window_params = [{transform_indices = @transform_0, window_bounds = array<i64: 1000, 128>}, {transform_indices = @transform_1, window_bounds = array<i64: 1, 1000, 128>}, {transform_indices = @transform_2, window_bounds = array<i64: 1, 1000, 128>}, {pipeline_mode = #tpu.pipeline_mode<synchronous>, transform_indices = @transform_3, window_bounds = array<i64: 128, 128>}, {pipeline_mode = #tpu.pipeline_mode<synchronous>, transform_indices = @transform_4, window_bounds = array<i64: 128, 128>}, {pipeline_mode = #tpu.pipeline_mode<synchronous>, transform_indices = @transform_5, window_bounds = array<i64: 128, 128>}, {pipeline_mode = #tpu.pipeline_mode<synchronous>, transform_indices = @transform_6, window_bounds = array<i64: 128, 128>}, {pipeline_mode = #tpu.pipeline_mode<synchronous>, transform_indices = @transform_7, window_bounds = array<i64: 128, 128>}, {pipeline_mode = #tpu.pipeline_mode<synchronous>, transform_indices = @transform_8, window_bounds = array<i64: 1, 128>}, {pipeline_mode = #tpu.pipeline_mode<synchronous>, transform_indices = @transform_9, window_bounds = array<i64: 1, 128>}, {pipeline_mode = #tpu.pipeline_mode<synchronous>, transform_indices = @transform_10, window_bounds = array<i64: 1, 128>}, {pipeline_mode = #tpu.pipeline_mode<synchronous>, transform_indices = @transform_11, window_bounds = array<i64: 1, 128>}, {pipeline_mode = #tpu.pipeline_mode<synchronous>, transform_indices = @transform_12, window_bounds = array<i64: 1, 128>}, {pipeline_mode = #tpu.pipeline_mode<synchronous>, transform_indices = @transform_13, window_bounds = array<i64: 1, 128>}, {pipeline_mode = #tpu.pipeline_mode<synchronous>, transform_indices = @transform_14, window_bounds = array<i64: 1, 128>}, {pipeline_mode = #tpu.pipeline_mode<synchronous>, transform_indices = @transform_15, window_bounds = array<i64: 1, 128>}, {pipeline_mode = #tpu.pipeline_mode<synchronous>, transform_indices = @transform_16, window_bounds = array<i64: 1, 128>}, {pipeline_mode = #tpu.pipeline_mode<synchronous>, transform_indices = @transform_17, window_bounds = array<i64: 1, 128>}, {transform_indices = @transform_18, window_bounds = array<i64: 1000, 128>}]} {
    %get3A = arith.constant 0 : index
    %get3A_0 = arith.constant 0 : index
    %get3A_1 = vector.load %arg1[%get3A, %get3A_0] : memref<1000x128xf32, #tpu.memory_space<vmem>>, vector<1000x128xf32>
    %get3A_2 = arith.constant 0 : index
    %get3A_3 = arith.constant 0 : index
    %get3A_4 = arith.constant 0 : index
    %get3A_5 = vector.load %arg2[%get3A_2, %get3A_3, %get3A_4] : memref<1x1000x128xf32, #tpu.memory_space<vmem>>, vector<1x1000x128xf32>
    %get3A_6 = vector.shape_cast %get3A_5 : vector<1x1000x128xf32> to vector<1000x128xf32>
    %get3A_7 = arith.constant 0 : index
    %get3A_8 = arith.constant 0 : index
    %get3A_9 = arith.constant 0 : index
    %get3A_10 = vector.load %arg3[%get3A_7, %get3A_8, %get3A_9] : memref<1x1000x128xf32, #tpu.memory_space<vmem>>, vector<1x1000x128xf32>
    %get3A_11 = vector.shape_cast %get3A_10 : vector<1x1000x128xf32> to vector<1000x128xf32>
    %add3A = arith.addf %get3A_6, %get3A_11 : vector<1000x128xf32>
    %get3A_12 = arith.constant 0 : index
    %get3A_13 = arith.constant 0 : index
    %get3A_14 = vector.load %arg4[%get3A_12, %get3A_13] : memref<128x128xbf16, #tpu.memory_space<vmem>>, vector<128x128xbf16>
    %convert_element_type3A = arith.truncf %get3A_1 : vector<1000x128xf32> to vector<1000x128xbf16>
    %dot_general3A = arith.constant dense<0.000000e+00> : vector<1000x128xf32>
    %dot_general3A_15 = tpu.matmul %convert_element_type3A, %get3A_14, %dot_general3A {dimension_numbers = #tpu.dot_dimension_numbers<[1], [0], [0], [1], [0, 0, 1, 1], [], []>, transpose_lhs_hint = false} : vector<1000x128xbf16>, vector<128x128xbf16>, vector<1000x128xf32> -> vector<1000x128xf32>
    %get3A_16 = arith.constant 0 : index
    %get3A_17 = arith.constant 0 : index
    %get3A_18 = vector.load %arg5[%get3A_16, %get3A_17] : memref<128x128xbf16, #tpu.memory_space<vmem>>, vector<128x128xbf16>
    %convert_element_type3A_19 = arith.truncf %add3A : vector<1000x128xf32> to vector<1000x128xbf16>
    %dot_general3A_20 = arith.constant dense<0.000000e+00> : vector<1000x128xf32>
    %dot_general3A_21 = tpu.matmul %convert_element_type3A_19, %get3A_18, %dot_general3A_20 {dimension_numbers = #tpu.dot_dimension_numbers<[1], [0], [0], [1], [0, 0, 1, 1], [], []>, transpose_lhs_hint = false} : vector<1000x128xbf16>, vector<128x128xbf16>, vector<1000x128xf32> -> vector<1000x128xf32>
    %add3A_22 = arith.addf %dot_general3A_15, %dot_general3A_21 : vector<1000x128xf32>
    %get3A_23 = arith.constant 0 : index
    %get3A_24 = arith.constant 0 : index
    %get3A_25 = vector.load %arg9[%get3A_23, %get3A_24] : memref<1x128xf32, #tpu.memory_space<vmem>>, vector<1x128xf32>
    %add3A_26 = vector.broadcast %get3A_25 : vector<1x128xf32> to vector<1000x128xf32>
    %add3A_27 = arith.addf %add3A_22, %add3A_26 : vector<1000x128xf32>
    %max3A = arith.constant 0.000000e+00 : f32
    %max3A_28 = vector.broadcast %max3A : f32 to vector<1000x128xf32>
    %max3A_29 = arith.maximumf %add3A_27, %max3A_28 : vector<1000x128xf32>
    %get3A_30 = arith.constant 0 : index
    %get3A_31 = arith.constant 0 : index
    %get3A_32 = vector.load %arg13[%get3A_30, %get3A_31] : memref<1x128xf32, #tpu.memory_space<vmem>>, vector<1x128xf32>
    %get3A_33 = arith.constant 0 : index
    %get3A_34 = arith.constant 0 : index
    %get3A_35 = vector.load %arg16[%get3A_33, %get3A_34] : memref<1x128xf32, #tpu.memory_space<vmem>>, vector<1x128xf32>
    %reduce_sum3A = arith.constant dense<0.000000e+00> : vector<1000xf32>
    %reduce_sum3A_36 = vector.multi_reduction <add>, %max3A_29, %reduce_sum3A [1] : vector<1000x128xf32> to vector<1000xf32>
    %broadcast_in_dim3A = vector.shape_cast %reduce_sum3A_36 : vector<1000xf32> to vector<1000x1xf32>
    %div3A = arith.constant 1.280000e+02 : f32
    %div3A_37 = vector.broadcast %div3A : f32 to vector<1000x1xf32>
    %div3A_38 = arith.divf %broadcast_in_dim3A, %div3A_37 : vector<1000x1xf32>
    %sub3A = vector.broadcast %div3A_38 : vector<1000x1xf32> to vector<1000x128xf32>
    %sub3A_39 = arith.subf %max3A_29, %sub3A : vector<1000x128xf32>
    %mul3A = arith.mulf %sub3A_39, %sub3A_39 : vector<1000x128xf32>
    %reduce_sum3A_40 = arith.constant dense<0.000000e+00> : vector<1000xf32>
    %reduce_sum3A_41 = vector.multi_reduction <add>, %mul3A, %reduce_sum3A_40 [1] : vector<1000x128xf32> to vector<1000xf32>
    %broadcast_in_dim3A_42 = vector.shape_cast %reduce_sum3A_41 : vector<1000xf32> to vector<1000x1xf32>
    %div3A_43 = arith.constant 1.280000e+02 : f32
    %div3A_44 = vector.broadcast %div3A_43 : f32 to vector<1000x1xf32>
    %div3A_45 = arith.divf %broadcast_in_dim3A_42, %div3A_44 : vector<1000x1xf32>
    %add3A_46 = arith.constant 9.99999974E-6 : f32
    %add3A_47 = vector.broadcast %add3A_46 : f32 to vector<1000x1xf32>
    %add3A_48 = arith.addf %div3A_45, %add3A_47 : vector<1000x1xf32>
    %rsqrt3A = math.rsqrt %add3A_48 : vector<1000x1xf32>
    %mul3A_49 = vector.broadcast %rsqrt3A : vector<1000x1xf32> to vector<1000x128xf32>
    %mul3A_50 = arith.mulf %sub3A_39, %mul3A_49 : vector<1000x128xf32>
    %mul3A_51 = vector.broadcast %get3A_32 : vector<1x128xf32> to vector<1000x128xf32>
    %mul3A_52 = arith.mulf %mul3A_50, %mul3A_51 : vector<1000x128xf32>
    %add3A_53 = vector.broadcast %get3A_35 : vector<1x128xf32> to vector<1000x128xf32>
    %add3A_54 = arith.addf %mul3A_52, %add3A_53 : vector<1000x128xf32>
    %get3A_55 = arith.constant 0 : index
    %get3A_56 = arith.constant 0 : index
    %get3A_57 = vector.load %arg6[%get3A_55, %get3A_56] : memref<128x128xbf16, #tpu.memory_space<vmem>>, vector<128x128xbf16>
    %convert_element_type3A_58 = arith.truncf %add3A_54 : vector<1000x128xf32> to vector<1000x128xbf16>
    %dot_general3A_59 = arith.constant dense<0.000000e+00> : vector<1000x128xf32>
    %dot_general3A_60 = tpu.matmul %convert_element_type3A_58, %get3A_57, %dot_general3A_59 {dimension_numbers = #tpu.dot_dimension_numbers<[1], [0], [0], [1], [0, 0, 1, 1], [], []>, transpose_lhs_hint = false} : vector<1000x128xbf16>, vector<128x128xbf16>, vector<1000x128xf32> -> vector<1000x128xf32>
    %get3A_61 = arith.constant 0 : index
    %get3A_62 = arith.constant 0 : index
    %get3A_63 = vector.load %arg10[%get3A_61, %get3A_62] : memref<1x128xf32, #tpu.memory_space<vmem>>, vector<1x128xf32>
    %add3A_64 = vector.broadcast %get3A_63 : vector<1x128xf32> to vector<1000x128xf32>
    %add3A_65 = arith.addf %dot_general3A_60, %add3A_64 : vector<1000x128xf32>
    %max3A_66 = arith.constant 0.000000e+00 : f32
    %max3A_67 = vector.broadcast %max3A_66 : f32 to vector<1000x128xf32>
    %max3A_68 = arith.maximumf %add3A_65, %max3A_67 : vector<1000x128xf32>
    %get3A_69 = arith.constant 0 : index
    %get3A_70 = arith.constant 0 : index
    %get3A_71 = vector.load %arg14[%get3A_69, %get3A_70] : memref<1x128xf32, #tpu.memory_space<vmem>>, vector<1x128xf32>
    %get3A_72 = arith.constant 0 : index
    %get3A_73 = arith.constant 0 : index
    %get3A_74 = vector.load %arg17[%get3A_72, %get3A_73] : memref<1x128xf32, #tpu.memory_space<vmem>>, vector<1x128xf32>
    %reduce_sum3A_75 = arith.constant dense<0.000000e+00> : vector<1000xf32>
    %reduce_sum3A_76 = vector.multi_reduction <add>, %max3A_68, %reduce_sum3A_75 [1] : vector<1000x128xf32> to vector<1000xf32>
    %broadcast_in_dim3A_77 = vector.shape_cast %reduce_sum3A_76 : vector<1000xf32> to vector<1000x1xf32>
    %div3A_78 = arith.constant 1.280000e+02 : f32
    %div3A_79 = vector.broadcast %div3A_78 : f32 to vector<1000x1xf32>
    %div3A_80 = arith.divf %broadcast_in_dim3A_77, %div3A_79 : vector<1000x1xf32>
    %sub3A_81 = vector.broadcast %div3A_80 : vector<1000x1xf32> to vector<1000x128xf32>
    %sub3A_82 = arith.subf %max3A_68, %sub3A_81 : vector<1000x128xf32>
    %mul3A_83 = arith.mulf %sub3A_82, %sub3A_82 : vector<1000x128xf32>
    %reduce_sum3A_84 = arith.constant dense<0.000000e+00> : vector<1000xf32>
    %reduce_sum3A_85 = vector.multi_reduction <add>, %mul3A_83, %reduce_sum3A_84 [1] : vector<1000x128xf32> to vector<1000xf32>
    %broadcast_in_dim3A_86 = vector.shape_cast %reduce_sum3A_85 : vector<1000xf32> to vector<1000x1xf32>
    %div3A_87 = arith.constant 1.280000e+02 : f32
    %div3A_88 = vector.broadcast %div3A_87 : f32 to vector<1000x1xf32>
    %div3A_89 = arith.divf %broadcast_in_dim3A_86, %div3A_88 : vector<1000x1xf32>
    %add3A_90 = arith.constant 9.99999974E-6 : f32
    %add3A_91 = vector.broadcast %add3A_90 : f32 to vector<1000x1xf32>
    %add3A_92 = arith.addf %div3A_89, %add3A_91 : vector<1000x1xf32>
    %rsqrt3A_93 = math.rsqrt %add3A_92 : vector<1000x1xf32>
    %mul3A_94 = vector.broadcast %rsqrt3A_93 : vector<1000x1xf32> to vector<1000x128xf32>
    %mul3A_95 = arith.mulf %sub3A_82, %mul3A_94 : vector<1000x128xf32>
    %mul3A_96 = vector.broadcast %get3A_71 : vector<1x128xf32> to vector<1000x128xf32>
    %mul3A_97 = arith.mulf %mul3A_95, %mul3A_96 : vector<1000x128xf32>
    %add3A_98 = vector.broadcast %get3A_74 : vector<1x128xf32> to vector<1000x128xf32>
    %add3A_99 = arith.addf %mul3A_97, %add3A_98 : vector<1000x128xf32>
    %get3A_100 = arith.constant 0 : index
    %get3A_101 = arith.constant 0 : index
    %get3A_102 = vector.load %arg7[%get3A_100, %get3A_101] : memref<128x128xbf16, #tpu.memory_space<vmem>>, vector<128x128xbf16>
    %convert_element_type3A_103 = arith.truncf %add3A_99 : vector<1000x128xf32> to vector<1000x128xbf16>
    %dot_general3A_104 = arith.constant dense<0.000000e+00> : vector<1000x128xf32>
    %dot_general3A_105 = tpu.matmul %convert_element_type3A_103, %get3A_102, %dot_general3A_104 {dimension_numbers = #tpu.dot_dimension_numbers<[1], [0], [0], [1], [0, 0, 1, 1], [], []>, transpose_lhs_hint = false} : vector<1000x128xbf16>, vector<128x128xbf16>, vector<1000x128xf32> -> vector<1000x128xf32>
    %get3A_106 = arith.constant 0 : index
    %get3A_107 = arith.constant 0 : index
    %get3A_108 = vector.load %arg11[%get3A_106, %get3A_107] : memref<1x128xf32, #tpu.memory_space<vmem>>, vector<1x128xf32>
    %add3A_109 = vector.broadcast %get3A_108 : vector<1x128xf32> to vector<1000x128xf32>
    %add3A_110 = arith.addf %dot_general3A_105, %add3A_109 : vector<1000x128xf32>
    %max3A_111 = arith.constant 0.000000e+00 : f32
    %max3A_112 = vector.broadcast %max3A_111 : f32 to vector<1000x128xf32>
    %max3A_113 = arith.maximumf %add3A_110, %max3A_112 : vector<1000x128xf32>
    %get3A_114 = arith.constant 0 : index
    %get3A_115 = arith.constant 0 : index
    %get3A_116 = vector.load %arg15[%get3A_114, %get3A_115] : memref<1x128xf32, #tpu.memory_space<vmem>>, vector<1x128xf32>
    %get3A_117 = arith.constant 0 : index
    %get3A_118 = arith.constant 0 : index
    %get3A_119 = vector.load %arg18[%get3A_117, %get3A_118] : memref<1x128xf32, #tpu.memory_space<vmem>>, vector<1x128xf32>
    %reduce_sum3A_120 = arith.constant dense<0.000000e+00> : vector<1000xf32>
    %reduce_sum3A_121 = vector.multi_reduction <add>, %max3A_113, %reduce_sum3A_120 [1] : vector<1000x128xf32> to vector<1000xf32>
    %broadcast_in_dim3A_122 = vector.shape_cast %reduce_sum3A_121 : vector<1000xf32> to vector<1000x1xf32>
    %div3A_123 = arith.constant 1.280000e+02 : f32
    %div3A_124 = vector.broadcast %div3A_123 : f32 to vector<1000x1xf32>
    %div3A_125 = arith.divf %broadcast_in_dim3A_122, %div3A_124 : vector<1000x1xf32>
    %sub3A_126 = vector.broadcast %div3A_125 : vector<1000x1xf32> to vector<1000x128xf32>
    %sub3A_127 = arith.subf %max3A_113, %sub3A_126 : vector<1000x128xf32>
    %mul3A_128 = arith.mulf %sub3A_127, %sub3A_127 : vector<1000x128xf32>
    %reduce_sum3A_129 = arith.constant dense<0.000000e+00> : vector<1000xf32>
    %reduce_sum3A_130 = vector.multi_reduction <add>, %mul3A_128, %reduce_sum3A_129 [1] : vector<1000x128xf32> to vector<1000xf32>
    %broadcast_in_dim3A_131 = vector.shape_cast %reduce_sum3A_130 : vector<1000xf32> to vector<1000x1xf32>
    %div3A_132 = arith.constant 1.280000e+02 : f32
    %div3A_133 = vector.broadcast %div3A_132 : f32 to vector<1000x1xf32>
    %div3A_134 = arith.divf %broadcast_in_dim3A_131, %div3A_133 : vector<1000x1xf32>
    %add3A_135 = arith.constant 9.99999974E-6 : f32
    %add3A_136 = vector.broadcast %add3A_135 : f32 to vector<1000x1xf32>
    %add3A_137 = arith.addf %div3A_134, %add3A_136 : vector<1000x1xf32>
    %rsqrt3A_138 = math.rsqrt %add3A_137 : vector<1000x1xf32>
    %mul3A_139 = vector.broadcast %rsqrt3A_138 : vector<1000x1xf32> to vector<1000x128xf32>
    %mul3A_140 = arith.mulf %sub3A_127, %mul3A_139 : vector<1000x128xf32>
    %mul3A_141 = vector.broadcast %get3A_116 : vector<1x128xf32> to vector<1000x128xf32>
    %mul3A_142 = arith.mulf %mul3A_140, %mul3A_141 : vector<1000x128xf32>
    %add3A_143 = vector.broadcast %get3A_119 : vector<1x128xf32> to vector<1000x128xf32>
    %add3A_144 = arith.addf %mul3A_142, %add3A_143 : vector<1000x128xf32>
    %get3A_145 = arith.constant 0 : index
    %get3A_146 = arith.constant 0 : index
    %get3A_147 = vector.load %arg8[%get3A_145, %get3A_146] : memref<128x128xbf16, #tpu.memory_space<vmem>>, vector<128x128xbf16>
    %convert_element_type3A_148 = arith.truncf %add3A_144 : vector<1000x128xf32> to vector<1000x128xbf16>
    %dot_general3A_149 = arith.constant dense<0.000000e+00> : vector<1000x128xf32>
    %dot_general3A_150 = tpu.matmul %convert_element_type3A_148, %get3A_147, %dot_general3A_149 {dimension_numbers = #tpu.dot_dimension_numbers<[1], [0], [0], [1], [0, 0, 1, 1], [], []>, transpose_lhs_hint = false} : vector<1000x128xbf16>, vector<128x128xbf16>, vector<1000x128xf32> -> vector<1000x128xf32>
    %add3A_151 = arith.addf %get3A_1, %dot_general3A_150 : vector<1000x128xf32>
    %get3A_152 = arith.constant 0 : index
    %get3A_153 = arith.constant 0 : index
    %get3A_154 = vector.load %arg12[%get3A_152, %get3A_153] : memref<1x128xf32, #tpu.memory_space<vmem>>, vector<1x128xf32>
    %add3A_155 = vector.broadcast %get3A_154 : vector<1x128xf32> to vector<1000x128xf32>
    %add3A_156 = arith.addf %add3A_151, %add3A_155 : vector<1000x128xf32>
    %swap3A = arith.constant 0 : index
    %swap3A_157 = arith.constant 0 : index
    %swap3A_158 = vector.load %arg19[%swap3A, %swap3A_157] : memref<1000x128xf32, #tpu.memory_space<vmem>>, vector<1000x128xf32>
    tpu.vector_store %arg19[%swap3A, %swap3A_157], %add3A_156 {strides = array<i32>} : memref<1000x128xf32, #tpu.memory_space<vmem>>, vector<1000x128xf32>,
    return
  }
  func.func @transform_0(%arg0: i32) -> (i32, i32) {
    %c0_i32 = arith.constant 0 : i32
    %c0_i32_0 = arith.constant 0 : i32
    return %arg0, %c0_i32 : i32, i32
  }
  func.func @transform_1(%arg0: i32) -> (i32, i32, i32) {
    %c0_i32 = arith.constant 0 : i32
    %c0_i32_0 = arith.constant 0 : i32
    %c0_i32_1 = arith.constant 0 : i32
    return %c0_i32, %arg0, %c0_i32_0 : i32, i32, i32
  }
  func.func @transform_2(%arg0: i32) -> (i32, i32, i32) {
    %c1_i32 = arith.constant 1 : i32
    %c0_i32 = arith.constant 0 : i32
    %c0_i32_0 = arith.constant 0 : i32
    return %c1_i32, %arg0, %c0_i32 : i32, i32, i32
  }
  func.func @transform_3(%arg0: i32) -> (i32, i32) {
    %c0_i32 = arith.constant 0 : i32
    %c0_i32_0 = arith.constant 0 : i32
    %c0_i32_1 = arith.constant 0 : i32
    return %c0_i32, %c0_i32_0 : i32, i32
  }
  func.func @transform_4(%arg0: i32) -> (i32, i32) {
    %c0_i32 = arith.constant 0 : i32
    %c0_i32_0 = arith.constant 0 : i32
    %c0_i32_1 = arith.constant 0 : i32
    return %c0_i32, %c0_i32_0 : i32, i32
  }
  func.func @transform_5(%arg0: i32) -> (i32, i32) {
    %c0_i32 = arith.constant 0 : i32
    %c0_i32_0 = arith.constant 0 : i32
    %c0_i32_1 = arith.constant 0 : i32
    return %c0_i32, %c0_i32_0 : i32, i32
  }
  func.func @transform_6(%arg0: i32) -> (i32, i32) {
    %c0_i32 = arith.constant 0 : i32
    %c0_i32_0 = arith.constant 0 : i32
    %c0_i32_1 = arith.constant 0 : i32
    return %c0_i32, %c0_i32_0 : i32, i32
  }
  func.func @transform_7(%arg0: i32) -> (i32, i32) {
    %c0_i32 = arith.constant 0 : i32
    %c0_i32_0 = arith.constant 0 : i32
    %c0_i32_1 = arith.constant 0 : i32
    return %c0_i32, %c0_i32_0 : i32, i32
  }
  func.func @transform_8(%arg0: i32) -> (i32, i32) {
    %c0_i32 = arith.constant 0 : i32
    %c0_i32_0 = arith.constant 0 : i32
    %c0_i32_1 = arith.constant 0 : i32
    return %c0_i32, %c0_i32_0 : i32, i32
  }
  func.func @transform_9(%arg0: i32) -> (i32, i32) {
    %c0_i32 = arith.constant 0 : i32
    %c0_i32_0 = arith.constant 0 : i32
    %c0_i32_1 = arith.constant 0 : i32
    return %c0_i32, %c0_i32_0 : i32, i32
  }
  func.func @transform_10(%arg0: i32) -> (i32, i32) {
    %c0_i32 = arith.constant 0 : i32
    %c0_i32_0 = arith.constant 0 : i32
    %c0_i32_1 = arith.constant 0 : i32
    return %c0_i32, %c0_i32_0 : i32, i32
  }
  func.func @transform_11(%arg0: i32) -> (i32, i32) {
    %c0_i32 = arith.constant 0 : i32
    %c0_i32_0 = arith.constant 0 : i32
    %c0_i32_1 = arith.constant 0 : i32
    return %c0_i32, %c0_i32_0 : i32, i32
  }
  func.func @transform_12(%arg0: i32) -> (i32, i32) {
    %c0_i32 = arith.constant 0 : i32
    %c0_i32_0 = arith.constant 0 : i32
    %c0_i32_1 = arith.constant 0 : i32
    return %c0_i32, %c0_i32_0 : i32, i32
  }
  func.func @transform_13(%arg0: i32) -> (i32, i32) {
    %c0_i32 = arith.constant 0 : i32
    %c0_i32_0 = arith.constant 0 : i32
    %c0_i32_1 = arith.constant 0 : i32
    return %c0_i32, %c0_i32_0 : i32, i32
  }
  func.func @transform_14(%arg0: i32) -> (i32, i32) {
    %c0_i32 = arith.constant 0 : i32
    %c0_i32_0 = arith.constant 0 : i32
    %c0_i32_1 = arith.constant 0 : i32
    return %c0_i32, %c0_i32_0 : i32, i32
  }
  func.func @transform_15(%arg0: i32) -> (i32, i32) {
    %c0_i32 = arith.constant 0 : i32
    %c0_i32_0 = arith.constant 0 : i32
    %c0_i32_1 = arith.constant 0 : i32
    return %c0_i32, %c0_i32_0 : i32, i32
  }
  func.func @transform_16(%arg0: i32) -> (i32, i32) {
    %c0_i32 = arith.constant 0 : i32
    %c0_i32_0 = arith.constant 0 : i32
    %c0_i32_1 = arith.constant 0 : i32
    return %c0_i32, %c0_i32_0 : i32, i32
  }
  func.func @transform_17(%arg0: i32) -> (i32, i32) {
    %c0_i32 = arith.constant 0 : i32
    %c0_i32_0 = arith.constant 0 : i32
    %c0_i32_1 = arith.constant 0 : i32
    return %c0_i32, %c0_i32_0 : i32, i32
  }
  func.func @transform_18(%arg0: i32) -> (i32, i32) {
    %c0_i32 = arith.constant 0 : i32
    %c0_i32_0 = arith.constant 0 : i32
    return %arg0, %c0_i32 : i32, i32
  }
}

</mosaic_0001>

<sc_bundles>
// kernel: kernel.6.cloned.1.call-start
scs
__scs_entry_jumppad:
0x0: {  	(pc) =	sbr.rel $0x88, $3  }
0x1: {  	(tag) =	ssettag $0x0;
	lr =	simm.s32 $0x1  }
0x2: {  	[smem:$0x3F82] =	sst lr;
	_ =	strace $0xD0000000  }
0x3: {  	_ = 	snop  }
0x4: {  	_ = 	snop  }
0x5: {  	_ = 	snop  }
0x6: {  	_ = 	snop  }
0x7: {  	_ = 	snop  }
__scs_overlays_trampoline_lowered:
0x8: {  	[smem:$0x3F91] =	sst s0  }
0x9: {  	[smem:$0x3F92] =	sst s1  }
0xa: {  	[smem:$0x3F93] =	sst s2  }
0xb: {  	[smem:$0x3F94] =	sst s3  }
0xc: {  	[smem:$0x3F95] =	sst s4  }
0xd: {  	[smem:$0x3F96] =	sst s5  }
0xe: {  	[smem:$0x3F97] =	sst s6  }
0xf: {  	[smem:$0x3F98] =	sst s7  }
0x10: {  	[smem:$0x3F99] =	sst s8  }
0x11: {  	[smem:$0x3F9A] =	sst s9;
	s0 =	simm.s32 @!p0 $0x0  }
0x12: {  	s1 =	sld [smem:$0x3F80];
	s0 =	simm.s32 @p0 $0x1  }
0x13: {  	[smem:$0x3F9B] =	sst s0;
	s0 =	simm.s32 @!p1 $0x0  }
0x14: {  	s2 =	sld [smem:$0x3F7F];
	s0 =	simm.s32 @p1 $0x1  }
0x15: {  	[smem:$0x3F9C] =	sst s0;
	s0 =	simm.s32 @!p2 $0x0  }
0x16: {  	s3 =	sld [smem:$0x3FDB];
	s0 =	simm.s32 @p2 $0x1  }
0x17: {  	s4 =	simm.s32 $0x1BF5;
	[smem:$0x3F9E] =	sst s0  }
0x18: {  	s0 =	sld [smem:$0x3F81];
	_ =	swait.ge [sflag:s4], $0x0  }
0x19: {  	s7 =	sld [smem:$0x3F82]  }
0x1a: {  	s8 =	sadd.s32 $0xFFFFE003, lr  }
0x1b: {  	s9 =	sadd.s32 $0xFFFFFEF7, lr;
	s5 =	simm.s32 $0xFFFFFFFF;
	p2 =	slt.u32 s8, $0xFFFFF086  }
0x1c: {  	p1 =	slt.u32 s9, $0xF7A;
	s5 =	simm.s32 @!p2 $0x0  }
0x1d: {  	s5 =	simm.s32 @p1 $0x1;
	p0 =	seq.s32 s7, s2  }
0x1e: {  	s7 =	smul.u32 @!p0 $0xF7A, s2;
	p2 =	seq.s32 @!p0 s5, $0x0  }
0x1f: {  	s9 =	smul.u32 $0xF7A, s1;
	s8 =	simm.s32 @!p0 $0x1BF5;
	p2 =	por !p2, p0  }
0x20: {  	[sflag:s8] =	ssyncset.s32 @!p0 $0xFFFFF086;
	s6 =	sadd.s32 @!p0 s3, s7;
	s7 =	simm.s32 @!p0 $0x108  }
0x21: {  	s3 =	sadd.s32 s3, s9;
	s6 =	sadd.s32 @!p0 $0x88, s6;
	s7 =	simm.s32 @p2 $0x1082  }
0x22: {  	[simem:s7], [sflag:s8] =	dma.local @!p0 [hbm:s6], $0xF7A  }
0x23: {  	s9 =	sor.u32 $0xD0000000, s2;
	s6 =	simm.s32 $0x108;
	_ =	swait.ge @!p0 [sflag:s8], $0x0  }
0x24: {  	s3 =	sadd.s32 $0x88, s3;
	s6 =	simm.s32 @!p1 $0x1082;
	[sflag:s4] =	ssyncset.s32 $0xFFFFF086  }
0x25: {  	[simem:s6], [sflag:s4] =	dma.local [hbm:s3], $0xF7A  }
0x26: {  	[smem:$0x3F82] =	sst s1;
	(tag) =	ssettag s2;
	_ =	strace s9  }
0x27: {  	s1 =	sld [smem:$0x3F92]  }
0x28: {  	s2 =	sld [smem:$0x3F93]  }
0x29: {  	s4 =	sld [smem:$0x3F95]  }
0x2a: {  	p0 =	seq.s32 s5, $0x0;
	s5 =	sld [smem:$0x3F96]  }
0x2b: {  	s6 =	sld [smem:$0x3F97]  }
0x2c: {  	s7 =	sld [smem:$0x3F98]  }
0x2d: {  	s3 =	simm.s32 $0x108;
	s8 =	sld [smem:$0x3F99]  }
0x2e: {  	s3 =	simm.s32 @!p0 $0x1082;
	s9 =	sld [smem:$0x3F9A]  }
0x2f: {  	lr =	sadd.s32 s0, s3;
	s0 =	sld [smem:$0x3F91]  }
0x30: {  	s3 =	sld [smem:$0x3F94]  }
0x31: {  	[smem:$0x3F9D] =	sst s10  }
0x32: {  	s10 =	sld [smem:$0x3F9B];
	_ =	sdelay $0x3  }
0x33: {  	p0 =	seq.s32 s10, $0x1;
	s10 =	sld [smem:$0x3F9D];
	_ =	sdelay $0x3  }
0x34: {  	[smem:$0x3F9D] =	sst s10  }
0x35: {  	s10 =	sld [smem:$0x3F9C];
	_ =	sdelay $0x3  }
0x36: {  	p1 =	seq.s32 s10, $0x1;
	s10 =	sld [smem:$0x3F9D];
	_ =	sdelay $0x3  }
0x37: {  	[smem:$0x3F9D] =	sst s10  }
0x38: {  	s10 =	sld [smem:$0x3F9E]  }
0x39: {  	_ = 	snop;
	(pc) =	sbr.ind lr, $3  }
0x3a: {  	_ = 	snop  }
0x3b: {  	_ = 	snop  }
0x3c: {  	p2 =	seq.s32 s10, $0x1;
	s10 =	sld [smem:$0x3F9D]  }
0x3d: {  	_ =	shalt  }
0x3e: {  	_ =	shalt  }
0x3f: {  	_ =	shalt  }
0x40: {  	_ =	shalt  }
0x41: {  	_ =	shalt  }
0x42: {  	_ =	shalt  }
0x43: {  	_ =	shalt  }
0x44: {  	_ =	shalt  }
0x45: {  	_ =	shalt  }
0x46: {  	_ =	shalt  }
0x47: {  	_ =	shalt  }
0x48: {  	_ =	shalt  }
0x49: {  	_ =	shalt  }
0x4a: {  	_ =	shalt  }
0x4b: {  	_ =	shalt  }
0x4c: {  	_ =	shalt  }
0x4d: {  	_ =	shalt  }
0x4e: {  	_ =	shalt  }
0x4f: {  	_ =	shalt  }
0x50: {  	_ =	shalt  }
0x51: {  	_ =	shalt  }
0x52: {  	_ =	shalt  }
0x53: {  	_ =	shalt  }
0x54: {  	_ =	shalt  }
0x55: {  	_ =	shalt  }
0x56: {  	_ =	shalt  }
0x57: {  	_ =	shalt  }
0x58: {  	_ =	shalt  }
0x59: {  	_ =	shalt  }
0x5a: {  	_ =	shalt  }
0x5b: {  	_ =	shalt  }
0x5c: {  	_ =	shalt  }
0x5d: {  	_ =	shalt  }
0x5e: {  	_ =	shalt  }
0x5f: {  	_ =	shalt  }
0x60: {  	_ =	shalt  }
0x61: {  	_ =	shalt  }
0x62: {  	_ =	shalt  }
0x63: {  	_ =	shalt  }
0x64: {  	_ =	shalt  }
0x65: {  	_ =	shalt  }
0x66: {  	_ =	shalt  }
0x67: {  	_ =	shalt  }
0x68: {  	_ =	shalt  }
0x69: {  	_ =	shalt  }
0x6a: {  	_ =	shalt  }
0x6b: {  	_ =	shalt  }
0x6c: {  	_ =	shalt  }
0x6d: {  	_ =	shalt  }
0x6e: {  	_ =	shalt  }
0x6f: {  	_ =	shalt  }
0x70: {  	_ =	shalt  }
0x71: {  	_ =	shalt  }
0x72: {  	_ =	shalt  }
0x73: {  	_ =	shalt  }
0x74: {  	_ =	shalt  }
0x75: {  	_ =	shalt  }
0x76: {  	_ =	shalt  }
0x77: {  	_ =	shalt  }
0x78: {  	_ =	shalt  }
0x79: {  	_ =	shalt  }
0x7a: {  	_ =	shalt  }
0x7b: {  	_ =	shalt  }
0x7c: {  	_ =	shalt  }
0x7d: {  	_ =	shalt  }
0x7e: {  	_ =	shalt  }
0x7f: {  	_ =	shalt  }
0x80: {  	_ =	shalt  }
0x81: {  	_ =	shalt  }
0x82: {  	_ =	shalt  }
0x83: {  	_ =	shalt  }
0x84: {  	_ =	shalt  }
0x85: {  	_ =	shalt  }
0x86: {  	_ =	shalt  }
0x87: {  	_ =	shalt  }
.Lfunc_end0:
.L_simem_size_0:
called_computation_lowered:
.L_overlay_start_0:
0x88: {  	s2 =	sld [smem:$0x3FD9]  }
0x89: {  	s3 =	sld [smem:$0x3FFE];
	_ =	sdelay $0x1  }
0x8a: {  	s1 =	srdreg.scid  }
0x8b: {  	s0 =	sand.u32 $0x1, s1  }
0x8c: {  	s14 =	sshll.u32 s0, $0xA;
	s2 =	sadd.s32 s3, s2  }
0x8d: {  	s2 =	sadd.s32 s2, s14  }
0x8e: {  	[smem:$0x3FA9] =	sst s2  }
0x8f: {  	_ = 	snop  }
0x90: {  	s2 =	sld [smem:$0x3FD0];
	_ =	sdelay $0x2  }
0x91: {  	s4 =	simm.s32 $0xA;
	s5 =	simm.s32 $0x10;
	s15 =	sld [smem:$0x3FC9]  }
0x92: {  	[smem:s5], [sflag:s4] =	dma.local [hbm:s2], $0x1  }
0x93: {  	_ =	swait.eq [sflag:s4], $0x1  }
0x94: {  	[sflag:s4] =	ssyncset.done $0x0  }
0x95: {  	[sflag:s4] =	ssyncadd.s32 $0xFFFFFFFF  }
0x96: {  	s16 =	sld [smem:$0x11];
	(tm) =	ssettm $0x1  }
0x97: {  	s17 =	sld [smem:$0x3FFB];
	_ =	sdelay $0x3  }
0x98: {  	_ =	strace s17  }
0x99: {  	s4 =	sld [smem:$0x3FFC];
	_ =	sdelay $0x3  }
0x9a: {  	_ =	strace s4  }
0x9b: {  	s4 =	sld [smem:$0x3FFD];
	_ =	sdelay $0x3  }
0x9c: {  	_ =	strace s4  }
0x9d: {  	_ =	strace $0x8FFFFFFF  }
0x9e: {  	s18 =	sld [smem:$0x3FDB];
	_ =	sdelay $0x1  }
0x9f: {  	s19 =	simm.s32 $_scs_section_size  }
0xa0: {  	s6 =	simm.s32 $_size__tile_overlayer_lowered;
	s7 =	simm.s32 $_tile_overlayer_lowered  }
0xa1: {  	s22 =	simm.s32 $0x1BFF;
	s21 =	sshll.u32 s7, $0x1;
	s4 =	sadd.s32 s19, s18  }
0xa2: {  	s8 =	simm.s32 $0x0;
	s20 =	sshll.u32 s6, $0x1;
	s6 =	sadd.s32 s21, s4  }
0xa3: {  	[timem:s8], [sflag:s22] =	dma.local [hbm:s6], s20  }
0xa4: {  	_ =	swait.ge [sflag:s22], s20  }
0xa5: {  	s5 =	ssub.s32 $0x0, s20;
	[sflag:s22] =	ssyncset.done $0x0  }
0xa6: {  	[sflag:s22] =	ssyncadd.s32 s5;
	_ =	sdelay $0x1  }
0xa7: {  	s23 =	simm.s32 $0x1B8B  }
0xa8: {  	_ =	swait.ge [sflag:s23], $0x1  }
0xa9: {  	[sflag:s23] =	ssyncset.done $0x0  }
0xaa: {  	s25 =	simm.s32 $0x1B8E;
	s24 =	sld [smem:$0x3FFE];
	[sflag:s23] =	ssyncadd.s32 $0xFFFFFFFF  }
0xab: {  	s26 =	simm.s32 $execute0_lowered;
	[smem:$0x3FD2] =	sst s25  }
0xac: {  	s6 =	sshll.u32 s26, $0x1;
	_ =	strace $0x80000046;
	[dreg:$0x1] =	wrdreg $0xFFFFFFFF  }
0xad: {  	s28 =	simm.s32 $_size_execute0_lowered;
	s4 =	sadd.s32 s4, s6;
	[dreg:$0x0] =	wrdreg $0x0  }
0xae: {  	s6 =	sshll.u32 s28, $0x1;
	[dreg:$0x2] =	wrdreg s4  }
0xaf: {  	[dreg:$0x3] =	wrdreg s6  }
0xb0: {  	[dreg:$0x4] =	wrdreg $0xC0  }
0xb1: {  	_ =	task [dreg:s8], $0x5FFFF  }
0xb2: {  	[dreg:$0x1] =	wrdreg $0xFFFFFFFF  }
0xb3: {  	[dreg:$0x0] =	wrdreg $0x60  }
0xb4: {  	[dreg:$0x2] =	wrdreg s15  }
0xb5: {  	[dreg:$0x3] =	wrdreg s16  }
0xb6: {  	[dreg:$0x4] =	wrdreg s24  }
0xb7: {  	[dreg:$0x5] =	wrdreg $0x9  }
0xb8: {  	_ =	task.clear_ibuf [dreg:s8], $0x6FFFF;
	_ =	strace $0x90000046  }
0xb9: {  	s29 =	simm.s32 $0x9;
	_ =	strace $0x80000048  }
0xba: {  	_ =	swait.ge [sflag:s29], $0x1  }
0xbb: {  	[sflag:s29] =	ssyncadd.s32 $0xFFFFFFFF  }
0xbc: {  	_ =	strace $0x90000048  }
0xbd: {  	_ =	sfence  }
0xbe: {  	s30 =	sld [smem:$0x0];
	_ =	sdelay $0x2  }
0xbf: {  	s31 =	sshll.u32 s1, $0xD;
	s1 =	sshrl.u32 s1, $0x2  }
0xc0: {  	s3 =	sand.u32 $0x4000, s31;
	s1 =	sadd.s32 s1, s30  }
0xc1: {  	s0 =	sor.u32 s3, s0;
	s1 =	sshll.u32 s1, $0x11  }
0xc2: {  	s0 =	sor.u32 s1, s0  }
0xc3: {  	s0 =	sadd.s32 $0x8F2B, s0  }
0xc4: {  	[sflag:s0] =	ssyncadd.remote.s32 $0x1  }
0xc5: {  	_ =	sfence.sel $0xFFFF  }
0xc6: {  	[dreg:$0x0] =	wrdreg $0xFFFFFFFF;
	(pc) =	sbr.abs _section_cstart, $3  }
0xc7: {  	[dreg:$0x1] =	wrdreg $0xFFFFFFFF  }
0xc8: {  	_ =	task.clear_ibuf [dreg:s8], $0x2FFFF;
	_ =	strace $0x9FFFFFFF  }
0xc9: {  	(tm) =	ssettm $0x7FFFFFFF  }
tec
execute0_lowered:
.L_overlay_start_1:
0x0: {  	(tag) =	ssettag $0x1  }
0x1: {  	s1 =	rddreg [dreg:$0x0]  }
0x2: {  	s8 =	rddreg [dreg:$0x1]  }
0x3: {  	s4 =	rddreg [dreg:$0x2]  }
0x4: {  	s0 =	rddreg [dreg:$0x3]  }
0x5: {  	s5 =	srdreg.scid;
	s2 =	stileid.u32;
	s3 =	simm.s32 $0x0  }
0x6: {  	s12 =	simm.s32 $0x4100;
	s13 =	simm.s32 $0x1;
	s6 =	smul.u32 $0x4F00, s2  }
0x7: {  	s14 =	simm.s32 $0x2;
	s5 =	sand.u32 $0x1, s5;
	s9 =	smul.u32 $0x4F000, s2  }
0x8: {  	s15 =	simm.s32 $0x0;
	[smem:$0x7FF] =	sst s3;
	s7 =	smul.u32 $0x2780, s5  }
0x9: {  	_ =	strace $0x80000047;
	s28 =	ssub.s32 $0x2, s5;
	s5 =	smul.u32 $0x27800, s5  }
0xa: {  	s29 =	sadd.s32 s9, s4;
	s30 =	sshrl.u32 s28, $0x1;
	s6 =	sadd.s32 s7, s6  }
0xb: {  	s9 =	simm.s32 $0x3;
	s31 =	ssub.s32 s28, s30;
	s10 =	sshrl.u32 s6, $0x3  }
0xc: {  	s6 =	sadd.s32 s5, s29;
	s11 =	sadd.s32 s10, s4;
	s4 =	smax.u32 s31, $0x1  }
0xd: {  	s5 =	sadd.s32 $0xE600, s6;
	s6 =	sadd.s32 $0x4FE600, s6;
	s8 =	sadd.s32 s10, s8  }
0xe: {  	s10 =	simm.s32 $0x80;
	s7 =	sadd.s32 $0x4800, s11;
	s11 =	simm.s32 $0x100  }
.LBB2_1:
0xf: {  	s16 =	sadd.s32 $0x0, s8  }
0x10: {  	[tilespmem:s3], [sflag:$0x3] =	stream.linear.gather [hbm4b:s16+s3], $0x80, $0x38;
	[tilespmem:$0x8100] =	vst v63  }
0x11: {  	_ =	swait.ge [sflag:s9], $0x80  }
0x12: {  	[sflag:s9] =	ssyncset.done $0x0  }
0x13: {  	s31 =	sadd.s32 $0x0, s7;
	[sflag:s9] =	ssyncadd.s32 $0xFFFFFF80  }
0x14: {  	[tilespmem:s10], [sflag:$0x3] =	stream.linear.gather [hbm4b:s31+s3], $0x80, $0x38;
	[tilespmem:$0x8100] =	vst v63  }
0x15: {  	_ =	swait.ge [sflag:s9], $0x80  }
0x16: {  	[sflag:s9] =	ssyncset.done $0x0  }
0x17: {  	[sflag:s9] =	ssyncadd.s32 $0xFFFFFF80  }
0x18: {  	[tilespmem:s11], [sflag:$0x1] =	stream.indirect.gather [hbm4b:s1+s10], $0x80, s3, s10, $0xb8;
	[tilespmem:$0x8100] =	vst v63  }
0x19: {  	_ = 	snop  }
0x1a: {  	[tilespmem:s12], [sflag:$0x2] =	stream.indirect.gather [hbm4b:s1+s10], $0x80, s10, s10, $0xb8;
	[tilespmem:$0x8100] =	vst v63  }
0x1b: {  	_ =	swait.ge [sflag:s13], $0x4000  }
0x1c: {  	[sflag:s13] =	ssyncset.done $0x0  }
0x1d: {  	[sflag:s13] =	ssyncadd.s32 $0xFFFFC000  }
0x1e: {  	_ =	swait.ge [sflag:s14], $0x4000  }
0x1f: {  	[sflag:s14] =	ssyncset.done $0x0  }
0x20: {  	[sflag:s14] =	ssyncadd.s32 $0xFFFFC000  }
0x21: {  	[hbm4b:s5+s3] =	stream.linear.scatter [tilespmem:s11], [sflag:$0x3], $0x4000, $0x38;
	[tilespmem:$0x8100] =	vst v63  }
0x22: {  	_ =	swait.ge [sflag:s9], $0x4000  }
0x23: {  	[sflag:s9] =	ssyncset.done $0x0  }
0x24: {  	[sflag:s9] =	ssyncadd.s32 $0xFFFFC000  }
0x25: {  	[hbm4b:s6+s3] =	stream.linear.scatter [tilespmem:s12], [sflag:$0x3], $0x4000, $0x38;
	[tilespmem:$0x8100] =	vst v63  }
0x26: {  	s18 =	simm.s32 $0x10;
	s19 =	simm.s32 $0x20;
	_ =	swait.ge [sflag:s9], $0x4000  }
0x27: {  	s17 =	sadd.s32 $0x800, s5;
	s16 =	sadd.s32 $0x800, s6;
	[sflag:s9] =	ssyncset.done $0x0  }
.LBB2_2:
0x28: {  	s20 =	sadd.s32 s18, s8  }
0x29: {  	[sflag:s9] =	ssyncadd.s32 $0xFFFFC000;
	s21 =	smov.u32 s19;
	s22 =	sadd.s32 $0x10, s19  }
0x2a: {  	[tilespmem:s3], [sflag:$0x3] =	stream.linear.gather [hbm4b:s20+s3], $0x80, $0x38;
	[tilespmem:$0x8100] =	vst v63  }
0x2b: {  	p0 =	sne.s32 s19, $0x4E0;
	_ =	swait.ge [sflag:s9], $0x80  }
0x2c: {  	[sflag:s9] =	ssyncset.done $0x0  }
0x2d: {  	s19 =	sadd.s32 s18, s7;
	s18 =	smov.u32 s21;
	[sflag:s9] =	ssyncadd.s32 $0xFFFFFF80  }
0x2e: {  	[tilespmem:s10], [sflag:$0x3] =	stream.linear.gather [hbm4b:s19+s3], $0x80, $0x38;
	[tilespmem:$0x8100] =	vst v63  }
0x2f: {  	_ =	swait.ge [sflag:s9], $0x80  }
0x30: {  	[sflag:s9] =	ssyncset.done $0x0  }
0x31: {  	[sflag:s9] =	ssyncadd.s32 $0xFFFFFF80  }
0x32: {  	[tilespmem:s11], [sflag:$0x1] =	stream.indirect.gather [hbm4b:s1+s10], $0x80, s3, s10, $0xb8;
	[tilespmem:$0x8100] =	vst v63  }
0x33: {  	_ = 	snop  }
0x34: {  	[tilespmem:s12], [sflag:$0x2] =	stream.indirect.gather [hbm4b:s1+s10], $0x80, s10, s10, $0xb8;
	[tilespmem:$0x8100] =	vst v63  }
0x35: {  	_ =	swait.ge [sflag:s13], $0x4000  }
0x36: {  	[sflag:s13] =	ssyncset.done $0x0  }
0x37: {  	[sflag:s13] =	ssyncadd.s32 $0xFFFFC000  }
0x38: {  	_ =	swait.ge [sflag:s14], $0x4000  }
0x39: {  	[sflag:s14] =	ssyncset.done $0x0  }
0x3a: {  	[sflag:s14] =	ssyncadd.s32 $0xFFFFC000  }
0x3b: {  	[hbm4b:s17+s3] =	stream.linear.scatter [tilespmem:s11], [sflag:$0x3], $0x4000, $0x38;
	[tilespmem:$0x8100] =	vst v63  }
0x3c: {  	_ =	swait.ge [sflag:s9], $0x4000  }
.Ltmp0:
0x3d: {  	[sflag:s9] =	ssyncset.done $0x0;
	(pc) =	sbr.rel @p0 .LBB2_2-.Ltmp0, $4  }
0x3e: {  	[sflag:s9] =	ssyncadd.s32 $0xFFFFC000  }
0x3f: {  	[hbm4b:s16+s3] =	stream.linear.scatter [tilespmem:s12], [sflag:$0x3], $0x4000, $0x38;
	[tilespmem:$0x8100] =	vst v63  }
0x40: {  	s19 =	smov.u32 s22;
	_ =	swait.ge [sflag:s9], $0x4000  }
0x41: {  	s17 =	sadd.s32 $0x800, s17;
	s16 =	sadd.s32 $0x800, s16;
	[sflag:s9] =	ssyncset.done $0x0  }
0x42: {  	s19 =	sadd.s32 s18, s8;
	[sflag:s9] =	ssyncadd.s32 $0xFFFFC000  }
0x43: {  	[tilespmem:s3], [sflag:$0x3] =	stream.linear.gather [hbm4b:s19+s3], $0x80, $0x38;
	[tilespmem:$0x8100] =	vst v63  }
0x44: {  	_ =	swait.ge [sflag:s9], $0x80  }
0x45: {  	[sflag:s9] =	ssyncset.done $0x0  }
0x46: {  	s31 =	sadd.s32 s18, s7;
	[sflag:s9] =	ssyncadd.s32 $0xFFFFFF80  }
0x47: {  	[tilespmem:s10], [sflag:$0x3] =	stream.linear.gather [hbm4b:s31+s3], $0x80, $0x38;
	[tilespmem:$0x8100] =	vst v63  }
0x48: {  	_ =	swait.ge [sflag:s9], $0x80  }
0x49: {  	[sflag:s9] =	ssyncset.done $0x0  }
0x4a: {  	[sflag:s9] =	ssyncadd.s32 $0xFFFFFF80  }
0x4b: {  	[tilespmem:s11], [sflag:$0x1] =	stream.indirect.gather [hbm4b:s1+s10], $0x80, s3, s10, $0xb8;
	[tilespmem:$0x8100] =	vst v63  }
0x4c: {  	_ = 	snop  }
0x4d: {  	[tilespmem:s12], [sflag:$0x2] =	stream.indirect.gather [hbm4b:s1+s10], $0x80, s10, s10, $0xb8;
	[tilespmem:$0x8100] =	vst v63  }
0x4e: {  	_ =	swait.ge [sflag:s13], $0x4000  }
0x4f: {  	[sflag:s13] =	ssyncset.done $0x0  }
0x50: {  	[sflag:s13] =	ssyncadd.s32 $0xFFFFC000  }
0x51: {  	_ =	swait.ge [sflag:s14], $0x4000  }
0x52: {  	[sflag:s14] =	ssyncset.done $0x0  }
0x53: {  	[sflag:s14] =	ssyncadd.s32 $0xFFFFC000  }
0x54: {  	[hbm4b:s17+s3] =	stream.linear.scatter [tilespmem:s11], [sflag:$0x3], $0x4000, $0x38;
	[tilespmem:$0x8100] =	vst v63  }
0x55: {  	s15 =	sadd.s32 $0x1, s15;
	_ =	swait.ge [sflag:s9], $0x4000  }
0x56: {  	p0 =	sne.s32 s15, s4;
	[sflag:s9] =	ssyncset.done $0x0  }
.Ltmp1:
0x57: {  	[sflag:s9] =	ssyncadd.s32 $0xFFFFC000;
	(pc) =	sbr.rel @p0 .LBB2_1-.Ltmp1, $4  }
0x58: {  	[hbm4b:s16+s3] =	stream.linear.scatter [tilespmem:s12], [sflag:$0x3], $0x4000, $0x38;
	[tilespmem:$0x8100] =	vst v63  }
0x59: {  	_ =	swait.ge [sflag:s9], $0x4000  }
0x5a: {  	[sflag:s9] =	ssyncset.done $0x0  }
0x5b: {  	[sflag:s9] =	ssyncadd.s32 $0xFFFFC000  }
0x5c: {  	_ =	sfence.sel $0x180000  }
0x5d: {  	[bflag:$0x0] =	sbarrier.arrive $0xFFFF  }
0x5e: {  	p0 =	sne.s32 s2, $0x0;
	_ =	strace $0x90000047  }
0x5f: {  	s0 =	sadd.s32 @!p0 $0x100000, s0;
	[bflag:$0x2] =	sbarrier.arrive $0xFFFF  }
0x60: {  	[sflag:s0] =	ssyncadd.tile.s32 @!p0 $0x1;
	_ =	shalt  }
.Lfunc_end2:
_tile_overlayer_lowered:
.L_overlay_start_2:
0x61: {  	(tag) =	ssettag $0x2  }
0x62: {  	s0 =	rddreg [dreg:$0x0];
	s2 =	stileid.u32  }
0x63: {  	s1 =	rddreg [dreg:$0x1];
	p0 =	sne.s32 s2, $0x0  }
0x64: {  	s3 =	rddreg [dreg:$0x2];
	[bflag:$0x3] =	sbarrier.arrive $0xFFFF;
	s2 =	simm.s32 @!p0 $0x1C03  }
0x65: {  	[timem:s3], [sflag:s2] =	dma.local @!p0 [hbm:s0], s1  }
0x66: {  	s0 =	simm.s32 @!p0 $0x3  }
0x67: {  	_ =	swait.ge @!p0 [sflag:s0], s1  }
0x68: {  	s1 =	ssub.s32 @!p0 $0x0, s1;
	[sflag:s0] =	ssyncset.done @!p0 $0x0  }
0x69: {  	[sflag:s0] =	ssyncadd.s32 @!p0 s1  }
0x6a: {  	[bflag:$0x3] =	sbarrier.arrive $0xFFFF  }
0x6b: {  	_ =	shalt  }

// kernel: kernel.9.cloned.1.call-start
scs
__scs_entry_jumppad:
0x0: {  	(pc) =	sbr.rel $0x88, $3  }
0x1: {  	(tag) =	ssettag $0x0;
	lr =	simm.s32 $0x1  }
0x2: {  	[smem:$0x3F82] =	sst lr;
	_ =	strace $0xD0000000  }
0x3: {  	_ = 	snop  }
0x4: {  	_ = 	snop  }
0x5: {  	_ = 	snop  }
0x6: {  	_ = 	snop  }
0x7: {  	_ = 	snop  }
__scs_overlays_trampoline_lowered:
0x8: {  	[smem:$0x3F91] =	sst s0  }
0x9: {  	[smem:$0x3F92] =	sst s1  }
0xa: {  	[smem:$0x3F93] =	sst s2  }
0xb: {  	[smem:$0x3F94] =	sst s3  }
0xc: {  	[smem:$0x3F95] =	sst s4  }
0xd: {  	[smem:$0x3F96] =	sst s5  }
0xe: {  	[smem:$0x3F97] =	sst s6  }
0xf: {  	[smem:$0x3F98] =	sst s7  }
0x10: {  	[smem:$0x3F99] =	sst s8  }
0x11: {  	[smem:$0x3F9A] =	sst s9;
	s0 =	simm.s32 @!p0 $0x0  }
0x12: {  	s1 =	sld [smem:$0x3F80];
	s0 =	simm.s32 @p0 $0x1  }
0x13: {  	[smem:$0x3F9B] =	sst s0;
	s0 =	simm.s32 @!p1 $0x0  }
0x14: {  	s2 =	sld [smem:$0x3F7F];
	s0 =	simm.s32 @p1 $0x1  }
0x15: {  	[smem:$0x3F9C] =	sst s0;
	s0 =	simm.s32 @!p2 $0x0  }
0x16: {  	s3 =	sld [smem:$0x3FDB];
	s0 =	simm.s32 @p2 $0x1  }
0x17: {  	s4 =	simm.s32 $0x1BF5;
	[smem:$0x3F9E] =	sst s0  }
0x18: {  	s0 =	sld [smem:$0x3F81];
	_ =	swait.ge [sflag:s4], $0x0  }
0x19: {  	s7 =	sld [smem:$0x3F82]  }
0x1a: {  	s8 =	sadd.s32 $0xFFFFE003, lr  }
0x1b: {  	s9 =	sadd.s32 $0xFFFFFEF7, lr;
	s5 =	simm.s32 $0xFFFFFFFF;
	p2 =	slt.u32 s8, $0xFFFFF086  }
0x1c: {  	p1 =	slt.u32 s9, $0xF7A;
	s5 =	simm.s32 @!p2 $0x0  }
0x1d: {  	s5 =	simm.s32 @p1 $0x1;
	p0 =	seq.s32 s7, s2  }
0x1e: {  	s7 =	smul.u32 @!p0 $0xF7A, s2;
	p2 =	seq.s32 @!p0 s5, $0x0  }
0x1f: {  	s9 =	smul.u32 $0xF7A, s1;
	s8 =	simm.s32 @!p0 $0x1BF5;
	p2 =	por !p2, p0  }
0x20: {  	[sflag:s8] =	ssyncset.s32 @!p0 $0xFFFFF086;
	s6 =	sadd.s32 @!p0 s3, s7;
	s7 =	simm.s32 @!p0 $0x108  }
0x21: {  	s3 =	sadd.s32 s3, s9;
	s6 =	sadd.s32 @!p0 $0x88, s6;
	s7 =	simm.s32 @p2 $0x1082  }
0x22: {  	[simem:s7], [sflag:s8] =	dma.local @!p0 [hbm:s6], $0xF7A  }
0x23: {  	s9 =	sor.u32 $0xD0000000, s2;
	s6 =	simm.s32 $0x108;
	_ =	swait.ge @!p0 [sflag:s8], $0x0  }
0x24: {  	s3 =	sadd.s32 $0x88, s3;
	s6 =	simm.s32 @!p1 $0x1082;
	[sflag:s4] =	ssyncset.s32 $0xFFFFF086  }
0x25: {  	[simem:s6], [sflag:s4] =	dma.local [hbm:s3], $0xF7A  }
0x26: {  	[smem:$0x3F82] =	sst s1;
	(tag) =	ssettag s2;
	_ =	strace s9  }
0x27: {  	s1 =	sld [smem:$0x3F92]  }
0x28: {  	s2 =	sld [smem:$0x3F93]  }
0x29: {  	s4 =	sld [smem:$0x3F95]  }
0x2a: {  	p0 =	seq.s32 s5, $0x0;
	s5 =	sld [smem:$0x3F96]  }
0x2b: {  	s6 =	sld [smem:$0x3F97]  }
0x2c: {  	s7 =	sld [smem:$0x3F98]  }
0x2d: {  	s3 =	simm.s32 $0x108;
	s8 =	sld [smem:$0x3F99]  }
0x2e: {  	s3 =	simm.s32 @!p0 $0x1082;
	s9 =	sld [smem:$0x3F9A]  }
0x2f: {  	lr =	sadd.s32 s0, s3;
	s0 =	sld [smem:$0x3F91]  }
0x30: {  	s3 =	sld [smem:$0x3F94]  }
0x31: {  	[smem:$0x3F9D] =	sst s10  }
0x32: {  	s10 =	sld [smem:$0x3F9B];
	_ =	sdelay $0x3  }
0x33: {  	p0 =	seq.s32 s10, $0x1;
	s10 =	sld [smem:$0x3F9D];
	_ =	sdelay $0x3  }
0x34: {  	[smem:$0x3F9D] =	sst s10  }
0x35: {  	s10 =	sld [smem:$0x3F9C];
	_ =	sdelay $0x3  }
0x36: {  	p1 =	seq.s32 s10, $0x1;
	s10 =	sld [smem:$0x3F9D];
	_ =	sdelay $0x3  }
0x37: {  	[smem:$0x3F9D] =	sst s10  }
0x38: {  	s10 =	sld [smem:$0x3F9E]  }
0x39: {  	_ = 	snop;
	(pc) =	sbr.ind lr, $3  }
0x3a: {  	_ = 	snop  }
0x3b: {  	_ = 	snop  }
0x3c: {  	p2 =	seq.s32 s10, $0x1;
	s10 =	sld [smem:$0x3F9D]  }
0x3d: {  	_ =	shalt  }
0x3e: {  	_ =	shalt  }
0x3f: {  	_ =	shalt  }
0x40: {  	_ =	shalt  }
0x41: {  	_ =	shalt  }
0x42: {  	_ =	shalt  }
0x43: {  	_ =	shalt  }
0x44: {  	_ =	shalt  }
0x45: {  	_ =	shalt  }
0x46: {  	_ =	shalt  }
0x47: {  	_ =	shalt  }
0x48: {  	_ =	shalt  }
0x49: {  	_ =	shalt  }
0x4a: {  	_ =	shalt  }
0x4b: {  	_ =	shalt  }
0x4c: {  	_ =	shalt  }
0x4d: {  	_ =	shalt  }
0x4e: {  	_ =	shalt  }
0x4f: {  	_ =	shalt  }
0x50: {  	_ =	shalt  }
0x51: {  	_ =	shalt  }
0x52: {  	_ =	shalt  }
0x53: {  	_ =	shalt  }
0x54: {  	_ =	shalt  }
0x55: {  	_ =	shalt  }
0x56: {  	_ =	shalt  }
0x57: {  	_ =	shalt  }
0x58: {  	_ =	shalt  }
0x59: {  	_ =	shalt  }
0x5a: {  	_ =	shalt  }
0x5b: {  	_ =	shalt  }
0x5c: {  	_ =	shalt  }
0x5d: {  	_ =	shalt  }
0x5e: {  	_ =	shalt  }
0x5f: {  	_ =	shalt  }
0x60: {  	_ =	shalt  }
0x61: {  	_ =	shalt  }
0x62: {  	_ =	shalt  }
0x63: {  	_ =	shalt  }
0x64: {  	_ =	shalt  }
0x65: {  	_ =	shalt  }
0x66: {  	_ =	shalt  }
0x67: {  	_ =	shalt  }
0x68: {  	_ =	shalt  }
0x69: {  	_ =	shalt  }
0x6a: {  	_ =	shalt  }
0x6b: {  	_ =	shalt  }
0x6c: {  	_ =	shalt  }
0x6d: {  	_ =	shalt  }
0x6e: {  	_ =	shalt  }
0x6f: {  	_ =	shalt  }
0x70: {  	_ =	shalt  }
0x71: {  	_ =	shalt  }
0x72: {  	_ =	shalt  }
0x73: {  	_ =	shalt  }
0x74: {  	_ =	shalt  }
0x75: {  	_ =	shalt  }
0x76: {  	_ =	shalt  }
0x77: {  	_ =	shalt  }
0x78: {  	_ =	shalt  }
0x79: {  	_ =	shalt  }
0x7a: {  	_ =	shalt  }
0x7b: {  	_ =	shalt  }
0x7c: {  	_ =	shalt  }
0x7d: {  	_ =	shalt  }
0x7e: {  	_ =	shalt  }
0x7f: {  	_ =	shalt  }
0x80: {  	_ =	shalt  }
0x81: {  	_ =	shalt  }
0x82: {  	_ =	shalt  }
0x83: {  	_ =	shalt  }
0x84: {  	_ =	shalt  }
0x85: {  	_ =	shalt  }
0x86: {  	_ =	shalt  }
0x87: {  	_ =	shalt  }
.Lfunc_end0:
.L_simem_size_0:
called_computation.1_lowered:
.L_overlay_start_0:
0x88: {  	s2 =	sld [smem:$0x3FD9]  }
0x89: {  	s3 =	sld [smem:$0x3FFE];
	_ =	sdelay $0x1  }
0x8a: {  	s1 =	srdreg.scid  }
0x8b: {  	s0 =	sand.u32 $0x1, s1  }
0x8c: {  	s14 =	sshll.u32 s0, $0xA;
	s2 =	sadd.s32 s3, s2  }
0x8d: {  	s2 =	sadd.s32 s2, s14  }
0x8e: {  	[smem:$0x3FA9] =	sst s2  }
0x8f: {  	_ = 	snop  }
0x90: {  	s2 =	sld [smem:$0x3FD0];
	_ =	sdelay $0x2  }
0x91: {  	s15 =	simm.s32 $0xA;
	s4 =	simm.s32 $0x10  }
0x92: {  	[smem:s4], [sflag:s15] =	dma.local [hbm:s2], $0x1  }
0x93: {  	_ =	swait.eq [sflag:s15], $0x1  }
0x94: {  	[sflag:s15] =	ssyncset.done $0x0  }
0x95: {  	[sflag:s15] =	ssyncadd.s32 $0xFFFFFFFF  }
0x96: {  	s16 =	sld [smem:$0x10];
	(tm) =	ssettm $0x1  }
0x97: {  	s17 =	sld [smem:$0x3FFB];
	_ =	sdelay $0x3  }
0x98: {  	_ =	strace s17  }
0x99: {  	s3 =	sld [smem:$0x3FFC];
	_ =	sdelay $0x3  }
0x9a: {  	_ =	strace s3  }
0x9b: {  	s3 =	sld [smem:$0x3FFD];
	_ =	sdelay $0x3  }
0x9c: {  	_ =	strace s3  }
0x9d: {  	_ =	strace $0x8FFFFFFF  }
0x9e: {  	s18 =	sld [smem:$0x3FDB];
	_ =	sdelay $0x1  }
0x9f: {  	s19 =	simm.s32 $_scs_section_size  }
0xa0: {  	s5 =	simm.s32 $_size__tile_overlayer_lowered;
	s6 =	simm.s32 $_tile_overlayer_lowered  }
0xa1: {  	s22 =	simm.s32 $0x1BFF;
	s21 =	sshll.u32 s6, $0x1;
	s3 =	sadd.s32 s19, s18  }
0xa2: {  	s7 =	simm.s32 $0x0;
	s20 =	sshll.u32 s5, $0x1;
	s5 =	sadd.s32 s21, s3  }
0xa3: {  	[timem:s7], [sflag:s22] =	dma.local [hbm:s5], s20  }
0xa4: {  	_ =	swait.ge [sflag:s22], s20  }
0xa5: {  	s4 =	ssub.s32 $0x0, s20;
	[sflag:s22] =	ssyncset.done $0x0  }
0xa6: {  	[sflag:s22] =	ssyncadd.s32 s4;
	_ =	sdelay $0x1  }
0xa7: {  	s23 =	simm.s32 $0x1B8B  }
0xa8: {  	_ =	swait.ge [sflag:s23], $0x1  }
0xa9: {  	[sflag:s23] =	ssyncset.done $0x0  }
0xaa: {  	s25 =	simm.s32 $0x1B8E;
	s24 =	sld [smem:$0x3FFE];
	[sflag:s23] =	ssyncadd.s32 $0xFFFFFFFF  }
0xab: {  	s26 =	simm.s32 $execute0_lowered;
	[smem:$0x3FD2] =	sst s25  }
0xac: {  	s5 =	sshll.u32 s26, $0x1;
	_ =	strace $0x80000049;
	[dreg:$0x1] =	wrdreg $0xFFFFFFFF  }
0xad: {  	s28 =	simm.s32 $_size_execute0_lowered;
	s3 =	sadd.s32 s3, s5;
	[dreg:$0x0] =	wrdreg $0x0  }
0xae: {  	s5 =	sshll.u32 s28, $0x1;
	[dreg:$0x2] =	wrdreg s3  }
0xaf: {  	[dreg:$0x3] =	wrdreg s5  }
0xb0: {  	[dreg:$0x4] =	wrdreg $0xC0  }
0xb1: {  	_ =	task [dreg:s7], $0x5FFFF  }
0xb2: {  	[dreg:$0x1] =	wrdreg $0xFFFFFFFF  }
0xb3: {  	[dreg:$0x0] =	wrdreg $0x60  }
0xb4: {  	[dreg:$0x2] =	wrdreg s24  }
0xb5: {  	[dreg:$0x3] =	wrdreg s16  }
0xb6: {  	[dreg:$0x4] =	wrdreg $0x28000  }
0xb7: {  	[dreg:$0x5] =	wrdreg $0x9  }
0xb8: {  	_ =	task.clear_ibuf [dreg:s7], $0x6FFFF;
	_ =	strace $0x90000049  }
0xb9: {  	s29 =	simm.s32 $0x9;
	_ =	strace $0x8000004B  }
0xba: {  	_ =	swait.ge [sflag:s29], $0x1  }
0xbb: {  	[sflag:s29] =	ssyncadd.s32 $0xFFFFFFFF  }
0xbc: {  	_ =	strace $0x9000004B  }
0xbd: {  	_ =	sfence  }
0xbe: {  	s30 =	sld [smem:$0x0];
	_ =	sdelay $0x2  }
0xbf: {  	s31 =	sshll.u32 s1, $0xD;
	s1 =	sshrl.u32 s1, $0x2  }
0xc0: {  	s3 =	sand.u32 $0x4000, s31;
	s1 =	sadd.s32 s1, s30  }
0xc1: {  	s0 =	sor.u32 s3, s0;
	s1 =	sshll.u32 s1, $0x11  }
0xc2: {  	s0 =	sor.u32 s1, s0  }
0xc3: {  	s0 =	sadd.s32 $0x8F2B, s0  }
0xc4: {  	[sflag:s0] =	ssyncadd.remote.s32 $0x1  }
0xc5: {  	_ =	sfence.sel $0xFFFF  }
0xc6: {  	[dreg:$0x0] =	wrdreg $0xFFFFFFFF;
	(pc) =	sbr.abs _section_cstart, $3  }
0xc7: {  	[dreg:$0x1] =	wrdreg $0xFFFFFFFF  }
0xc8: {  	_ =	task.clear_ibuf [dreg:s7], $0x2FFFF;
	_ =	strace $0x9FFFFFFF  }
0xc9: {  	(tm) =	ssettm $0x7FFFFFFF  }
tec
execute0_lowered:
.L_overlay_start_1:
0x0: {  	(tag) =	ssettag $0x1  }
0x1: {  	s5 =	rddreg [dreg:$0x0]  }
0x2: {  	s6 =	rddreg [dreg:$0x1]  }
0x3: {  	s2 =	rddreg [dreg:$0x2];
	s3 =	simm.s32 $0x0  }
0x4: {  	s0 =	stileid.u32;
	s4 =	srdreg.scid;
	s18 =	simm.s32 $0x1A400  }
0x5: {  	s19 =	simm.s32 $0x1;
	s20 =	simm.s32 $0x80;
	s24 =	smul.u32 $0x2780, s0  }
0x6: {  	s21 =	simm.s32 $0x2;
	[smem:$0x7FF] =	sst s3;
	s12 =	smul.u32 $0x4F000, s0  }
0x7: {  	s9 =	sand.u32 $0x1, s4;
	s4 =	sadd.s32 $0x9EE600, s5;
	s17 =	smul.u32 $0x278000, s0  }
0x8: {  	s7 =	sshll.u32 s0, $0x1;
	s26 =	sshll.u32 s0, $0x6;
	s13 =	smul.u32 $0x27800, s9  }
0x9: {  	_ =	strace $0x8000004A;
	s7 =	sor.u32 s9, s7;
	s29 =	smul.u32 $0x13C000, s9  }
0xa: {  	s8 =	ssub.s32 $0x2, s9;
	s10 =	sadd.s32 s24, s5;
	s14 =	smul.u32 $0x500, s7  }
0xb: {  	s11 =	sshrl.u32 s8, $0x1;
	s22 =	sshrl.u32 s12, $0x2;
	s25 =	smul.u32 $0x13C000, s7  }
0xc: {  	s16 =	smul.u32 $0x27800, s7;
	s7 =	sor.u32 $0x1C06, s26;
	s31 =	sadd.s32 s12, s4  }
0xd: {  	s26 =	simm.s32 $0x0;
	s15 =	sadd.s32 s13, s5;
	s11 =	ssub.s32 s8, s11  }
0xe: {  	s23 =	sadd.s32 s22, s2;
	s30 =	sadd.s32 s29, s17;
	s13 =	sadd.s32 s13, s31  }
0xf: {  	s17 =	simm.s32 $0x16400;
	s22 =	simm.s32 $0x3;
	s5 =	sadd.s32 s6, s14  }
0x10: {  	s6 =	sadd.s32 $0x4800, s10;
	s28 =	sshrl.u32 s25, $0x3;
	s8 =	sadd.s32 s4, s16  }
0x11: {  	s25 =	sadd.s32 $0x2C000, s15;
	s12 =	sadd.s32 $0x8000, s30;
	s14 =	sshrl.u32 s23, $0x3  }
0x12: {  	s15 =	simm.s32 $0x6;
	s16 =	simm.s32 $0x5;
	s23 =	simm.s32 $0x4  }
0x13: {  	s10 =	sadd.s32 s4, s28;
	s24 =	sadd.s32 s24, s25;
	s25 =	simm.s32 $0x2700  }
0x14: {  	s9 =	sadd.s32 $0x27000, s10;
	s10 =	smax.u32 s11, $0x1;
	s11 =	sadd.s32 $0x800, s8  }
.LBB2_1:
0x15: {  	[tilespmem:s3], [sflag:$0x5] =	stream.linear.gather [hbm4b:s5+s3], $0x2780, $0x38;
	[tilespmem:$0x1E400] =	vst v63  }
0x16: {  	[spmem:s14], [sflag:s7] =	dma.local [hbm:s6], $0x2780  }
0x17: {  	_ =	swait.ge [sflag:s15], $0x2780  }
0x18: {  	[sflag:s15] =	ssyncset.done $0x0  }
0x19: {  	[sflag:s15] =	ssyncadd.s32 $0xFFFFD880  }
0x1a: {  	_ =	swait.ge [sflag:s16], $0x2780  }
0x1b: {  	[sflag:s16] =	ssyncset.done $0x0  }
0x1c: {  	[sflag:s16] =	ssyncadd.s32 $0xFFFFD880  }
0x1d: {  	[bflag:$0x0] =	sbarrier.arrive $0xFFFF  }
0x1e: {  	[tilespmem:s17], [sflag:$0x1] =	stream.linear.gather [hbm4b:s8+s3], $0x4000, $0x38;
	[tilespmem:$0x1E400] =	vst v63  }
0x1f: {  	_ = 	snop  }
0x20: {  	[tilespmem:s18], [sflag:$0x2] =	stream.linear.gather [hbm4b:s11+s3], $0x4000, $0x38;
	[tilespmem:$0x1E400] =	vst v63  }
0x21: {  	_ =	swait.ge [sflag:s19], $0x4000  }
0x22: {  	[sflag:s19] =	ssyncset.done $0x0  }
0x23: {  	[sflag:s19] =	ssyncadd.s32 $0xFFFFC000  }
0x24: {  	[spmem:s2] =	stream.indirect.scatter.add.f32 [tilespmem:s17], [sflag:$0x3], $0x80, s3, s20, $0xb8;
	[tilespmem:$0x1E400] =	vst v63  }
0x25: {  	_ =	swait.ge [sflag:s21], $0x4000  }
0x26: {  	[sflag:s21] =	ssyncset.done $0x0  }
0x27: {  	[sflag:s21] =	ssyncadd.s32 $0xFFFFC000  }
0x28: {  	[spmem:s2] =	stream.indirect.scatter.add.f32 [tilespmem:s18], [sflag:$0x4], $0x80, s20, s20, $0xb8;
	[tilespmem:$0x1E400] =	vst v63  }
0x29: {  	_ =	swait.ge [sflag:s22], $0x4000  }
0x2a: {  	s28 =	sshrl.u32 s12, $0x3;
	[sflag:s22] =	ssyncset.done $0x0  }
0x2b: {  	s28 =	sadd.s32 s4, s28;
	[sflag:s22] =	ssyncadd.s32 $0xFFFFC000  }
0x2c: {  	[tilespmem:s17], [sflag:$0x1] =	stream.linear.gather [hbm4b:s28+s3], $0x4000, $0x38;
	[tilespmem:$0x1E400] =	vst v63  }
0x2d: {  	_ =	swait.ge [sflag:s23], $0x4000  }
0x2e: {  	[sflag:s23] =	ssyncset.done $0x0  }
0x2f: {  	s28 =	sadd.s32 $0x1800, s13;
	[sflag:s23] =	ssyncadd.s32 $0xFFFFC000  }
0x30: {  	[tilespmem:s18], [sflag:$0x2] =	stream.linear.gather [hbm4b:s28+s3], $0x4000, $0x38;
	[tilespmem:$0x1E400] =	vst v63  }
0x31: {  	_ =	swait.ge [sflag:s19], $0x4000  }
0x32: {  	[sflag:s19] =	ssyncset.done $0x0  }
0x33: {  	s28 =	simm.s32 $0x100;
	[sflag:s19] =	ssyncadd.s32 $0xFFFFC000  }
0x34: {  	[spmem:s2] =	stream.indirect.scatter.add.f32 [tilespmem:s17], [sflag:$0x3], $0x80, s28, s20, $0xb8;
	[tilespmem:$0x1E400] =	vst v63  }
0x35: {  	_ =	swait.ge [sflag:s21], $0x4000  }
0x36: {  	s29 =	simm.s32 $0x200;
	s31 =	simm.s32 $0x180;
	[sflag:s21] =	ssyncset.done $0x0  }
0x37: {  	s30 =	sadd.s32 $0x8000, s12;
	s28 =	simm.s32 $0x2800;
	[sflag:s21] =	ssyncadd.s32 $0xFFFFC000  }
.LBB2_2:
0x38: {  	[spmem:s2] =	stream.indirect.scatter.add.f32 [tilespmem:s18], [sflag:$0x4], $0x80, s31, s20, $0xb8;
	[tilespmem:$0x1E400] =	vst v63  }
0x39: {  	s31 =	smov.u32 s28;
	s0 =	smov.u32 s29  }
0x3a: {  	p0 =	sne.s32 s28, $0x26800;
	s28 =	sadd.s32 $0x1000, s28;
	_ =	swait.ge [sflag:s22], $0x4000  }
0x3b: {  	s1 =	sshrl.u32 s30, $0x3;
	[sflag:s22] =	ssyncset.done $0x0  }
0x3c: {  	s1 =	sadd.s32 s4, s1;
	[sflag:s22] =	ssyncadd.s32 $0xFFFFC000  }
0x3d: {  	[tilespmem:s17], [sflag:$0x1] =	stream.linear.gather [hbm4b:s1+s3], $0x4000, $0x38;
	[tilespmem:$0x1E400] =	vst v63  }
0x3e: {  	_ =	swait.ge [sflag:s23], $0x4000  }
0x3f: {  	[sflag:s23] =	ssyncset.done $0x0  }
0x40: {  	s1 =	sadd.s32 s31, s13;
	[sflag:s23] =	ssyncadd.s32 $0xFFFFC000  }
0x41: {  	[tilespmem:s18], [sflag:$0x2] =	stream.linear.gather [hbm4b:s1+s3], $0x4000, $0x38;
	[tilespmem:$0x1E400] =	vst v63  }
0x42: {  	_ =	swait.ge [sflag:s19], $0x4000  }
0x43: {  	[sflag:s19] =	ssyncset.done $0x0  }
.Ltmp0:
0x44: {  	[sflag:s19] =	ssyncadd.s32 $0xFFFFC000;
	(pc) =	sbr.rel @p0 .LBB2_2-.Ltmp0, $4  }
0x45: {  	[spmem:s2] =	stream.indirect.scatter.add.f32 [tilespmem:s17], [sflag:$0x3], $0x80, s29, s20, $0xb8;
	[tilespmem:$0x1E400] =	vst v63  }
0x46: {  	_ =	swait.ge [sflag:s21], $0x4000  }
0x47: {  	s29 =	sadd.s32 $0x100, s29;
	[sflag:s21] =	ssyncset.done $0x0  }
0x48: {  	s30 =	sadd.s32 $0x8000, s30;
	s31 =	sadd.s32 $0x80, s0;
	[sflag:s21] =	ssyncadd.s32 $0xFFFFC000  }
0x49: {  	[spmem:s2] =	stream.indirect.scatter.add.f32 [tilespmem:s18], [sflag:$0x4], $0x80, s31, s20, $0xb8;
	[tilespmem:$0x1E400] =	vst v63  }
0x4a: {  	_ =	swait.ge [sflag:s22], $0x4000  }
0x4b: {  	[sflag:s22] =	ssyncset.done $0x0  }
0x4c: {  	[sflag:s22] =	ssyncadd.s32 $0xFFFFC000  }
0x4d: {  	_ =	swait.ge [sflag:s23], $0x4000  }
0x4e: {  	[sflag:s23] =	ssyncset.done $0x0  }
0x4f: {  	[sflag:s23] =	ssyncadd.s32 $0xFFFFC000  }
0x50: {  	[tilespmem:s17], [sflag:$0x1] =	stream.linear.gather [hbm4b:s9+s3], $0x4000, $0x38;
	[tilespmem:$0x1E400] =	vst v63  }
0x51: {  	_ =	swait.ge [sflag:s19], $0x4000  }
0x52: {  	[sflag:s19] =	ssyncset.done $0x0  }
0x53: {  	[sflag:s19] =	ssyncadd.s32 $0xFFFFC000  }
0x54: {  	[spmem:s2] =	stream.indirect.scatter.add.f32 [tilespmem:s17], [sflag:$0x3], $0x80, s25, s20, $0xb8;
	[tilespmem:$0x1E400] =	vst v63  }
0x55: {  	_ =	swait.ge [sflag:s22], $0x4000  }
0x56: {  	s26 =	sadd.s32 $0x1, s26;
	[sflag:s22] =	ssyncset.done $0x0  }
0x57: {  	p0 =	sne.s32 s26, s10;
	[sflag:s22] =	ssyncadd.s32 $0xFFFFC000  }
.Ltmp1:
0x58: {  	[bflag:$0x0] =	sbarrier.arrive $0xFFFF;
	(pc) =	sbr.rel @p0 .LBB2_1-.Ltmp1, $4  }
0x59: {  	[hbm:s24], [sflag:s7] =	dma.local [spmem:s14], $0x2780  }
0x5a: {  	_ =	swait.ge [sflag:s15], $0x2780  }
0x5b: {  	[sflag:s15] =	ssyncset.done $0x0  }
0x5c: {  	[sflag:s15] =	ssyncadd.s32 $0xFFFFD880  }
0x5d: {  	_ =	sfence.sel $0x180000  }
0x5e: {  	[bflag:$0x0] =	sbarrier.arrive $0xFFFF  }
0x5f: {  	_ =	strace $0x9000004A  }
0x60: {  	s0 =	stileid.u32;
	[bflag:$0x2] =	sbarrier.arrive $0xFFFF  }
0x61: {  	p0 =	sne.s32 s0, $0x0;
	s0 =	rddreg [dreg:$0x3]  }
0x62: {  	s0 =	sadd.s32 @!p0 $0x100000, s0  }
0x63: {  	[sflag:s0] =	ssyncadd.tile.s32 @!p0 $0x1;
	_ =	shalt  }
.Lfunc_end2:
_tile_overlayer_lowered:
.L_overlay_start_2:
0x64: {  	(tag) =	ssettag $0x2  }
0x65: {  	s0 =	rddreg [dreg:$0x0];
	s2 =	stileid.u32  }
0x66: {  	s1 =	rddreg [dreg:$0x1];
	p0 =	sne.s32 s2, $0x0  }
0x67: {  	s3 =	rddreg [dreg:$0x2];
	[bflag:$0x3] =	sbarrier.arrive $0xFFFF;
	s2 =	simm.s32 @!p0 $0x1C06  }
0x68: {  	[timem:s3], [sflag:s2] =	dma.local @!p0 [hbm:s0], s1  }
0x69: {  	s0 =	simm.s32 @!p0 $0x6  }
0x6a: {  	_ =	swait.ge @!p0 [sflag:s0], s1  }
0x6b: {  	s1 =	ssub.s32 @!p0 $0x0, s1;
	[sflag:s0] =	ssyncset.done @!p0 $0x0  }
0x6c: {  	[sflag:s0] =	ssyncadd.s32 @!p0 s1  }
0x6d: {  	[bflag:$0x3] =	sbarrier.arrive $0xFFFF  }
0x6e: {  	_ =	shalt  }

</sc_bundles>
